<compile_context>
chip_gen: v7x
topology: tpu7x:2x2x1
jax: 0.10.2.dev20260603
libtpu: 0.0.44.dev20260713+nightly
codegen_flags: <defaults>
</compile_context>

<pallas_src>
import functools

import jax
import jax.numpy as jnp
from jax import lax
from jax.experimental import pallas as pl
from jax.experimental.pallas import tpu as pltpu
from jax.experimental.pallas import tpu_sc as plsc

N_NODES = 10000
N_EDGES = 320000
D = 128

NC = 2
NS = 16
NW = NC * NS
EPW = N_EDGES // NW
K = 128
NCHUNK = EPW // K
KT = EPW - NCHUNK * K
N_PAD = 10240
RPT = N_PAD // NS
CW = 16


def _sc_aggregate(ei_flat, x, ones_h, z_acc, z_cnt):
  mesh = plsc.VectorSubcoreMesh(core_axis_name="c", subcore_axis_name="s")

  @functools.partial(
      pl.kernel,
      out_type=[
          jax.ShapeDtypeStruct((NC, N_PAD, D), jnp.float32),
          jax.ShapeDtypeStruct((NC, N_PAD, CW), jnp.float32),
      ],
      mesh=mesh,
      compiler_params=pltpu.CompilerParams(use_tc_tiling_on_sc=False),
      scratch_types=[
          pltpu.VMEM((K,), jnp.int32),
          pltpu.VMEM((K,), jnp.int32),
          pltpu.VMEM((K,), jnp.int32),
          pltpu.VMEM((K,), jnp.int32),
          pltpu.VMEM((KT,), jnp.int32),
          pltpu.VMEM((KT,), jnp.int32),
          pltpu.VMEM((K, D), jnp.float32),
          pltpu.VMEM((K, D), jnp.float32),
          pltpu.VMEM((K, CW), jnp.float32),
          pltpu.VMEM_SHARED((N_PAD, D), jnp.float32),
          pltpu.VMEM_SHARED((N_PAD, CW), jnp.float32),
          pltpu.SemaphoreType.DMA,
          pltpu.SemaphoreType.DMA,
          pltpu.SemaphoreType.DMA,
          pltpu.SemaphoreType.DMA,
          pltpu.SemaphoreType.DMA,
          pltpu.SemaphoreType.DMA,
          pltpu.SemaphoreType.DMA,
          pltpu.SemaphoreType.DMA,
          pltpu.SemaphoreType.DMA,
          pltpu.SemaphoreType.DMA,
      ],
  )
  def agg_kernel(ei_h, x_h, ones_hbm, zacc_h, zcnt_h,
                 part_o, cnt_o,
                 sv0, sv1, dv0, dv1, svt, dvt, r0, r1, ones_v, acc, cnt,
                 gs0, gs1, ss0, ss1, cs0, cs1, is0, is1, id0, id1):
    sv = [sv0, sv1]
    dv = [dv0, dv1]
    rows = [r0, r1]
    gs = [gs0, gs1]
    ss = [ss0, ss1]
    cs = [cs0, cs1]
    isem = [is0, is1]
    idsem = [id0, id1]

    c_ax = lax.axis_index("c")
    s_ax = lax.axis_index("s")
    wid = s_ax * NC + c_ax
    ebase = wid * EPW

    def src_slice(c):
      return ei_h.at[pl.ds(ebase + c * K, K)]

    def dst_slice(c):
      return ei_h.at[pl.ds(N_EDGES + ebase + c * K, K)]

    pltpu.sync_copy(src_slice(0), sv[0])
    pltpu.async_copy(x_h.at[sv[0]], rows[0], gs[0])
    pltpu.async_copy(dst_slice(0), dv[0], idsem[0])
    pltpu.async_copy(src_slice(1), sv[1], isem[1])
    pltpu.sync_copy(ones_hbm, ones_v)
    pltpu.sync_copy(zacc_h, acc.at[pl.ds(s_ax * RPT, RPT)])
    pltpu.sync_copy(zcnt_h, cnt.at[pl.ds(s_ax * RPT, RPT)])
    plsc.subcore_barrier()
    pltpu.make_async_copy(x_h.at[sv[0]], rows[0], gs[0]).wait()
    pltpu.make_async_copy(dst_slice(0), dv[0], idsem[0]).wait()
    pltpu.async_copy(rows[0], acc.at[dv[0]], ss[0], add=True)
    pltpu.async_copy(ones_v, cnt.at[dv[0]], cs[0], add=True)
    pltpu.async_copy(dst_slice(1), dv[1], idsem[1])
    pltpu.async_copy(src_slice(2), sv[0], isem[0])
    pltpu.make_async_copy(src_slice(1), sv[1], isem[1]).wait()
    pltpu.async_copy(x_h.at[sv[1]], rows[1], gs[1])

    def chunk_step(c, b, bp):
      pltpu.make_async_copy(x_h.at[sv[b]], rows[b], gs[b]).wait()

      def _prefetch_src():
        pltpu.async_copy(src_slice(c + 2), sv[b], isem[b])

      if isinstance(c, int):
        if c + 2 < NCHUNK:
          _prefetch_src()
      else:
        pl.when(c + 2 < NCHUNK)(_prefetch_src)

      pltpu.make_async_copy(dst_slice(c), dv[b], idsem[b]).wait()
      pltpu.async_copy(rows[b], acc.at[dv[b]], ss[b], add=True)
      pltpu.async_copy(ones_v, cnt.at[dv[b]], cs[b], add=True)
      pltpu.make_async_copy(rows[bp], acc.at[dv[bp]], ss[bp]).wait()
      pltpu.make_async_copy(ones_v, cnt.at[dv[bp]], cs[bp]).wait()

      def _next_gather():
        pltpu.async_copy(dst_slice(c + 1), dv[bp], idsem[bp])
        pltpu.make_async_copy(src_slice(c + 1), sv[bp], isem[bp]).wait()
        pltpu.async_copy(x_h.at[sv[bp]], rows[bp], gs[bp])

      if isinstance(c, int):
        if c + 1 < NCHUNK:
          _next_gather()
      else:
        pl.when(c + 1 < NCHUNK)(_next_gather)

    chunk_step(1, 1, 0)

    @pl.loop(2, NCHUNK, step=2)
    def _body(g):
      for db in (0, 1):
        chunk_step(g + db, db, 1 - db)

    tbase = ebase + NCHUNK * K
    pltpu.sync_copy(ei_h.at[pl.ds(tbase, KT)], svt)
    pltpu.sync_copy(ei_h.at[pl.ds(N_EDGES + tbase, KT)], dvt)
    rows_t = rows[0].at[pl.ds(0, KT)]
    ones_t = ones_v.at[pl.ds(0, KT)]
    pltpu.async_copy(x_h.at[svt], rows_t, gs[0]).wait()
    pltpu.async_copy(rows_t, acc.at[dvt], ss[0], add=True)
    pltpu.async_copy(ones_t, cnt.at[dvt], cs[0], add=True)
    pltpu.make_async_copy(rows_t, acc.at[dvt], ss[0]).wait()
    pltpu.make_async_copy(ones_t, cnt.at[dvt], cs[0]).wait()
    pltpu.make_async_copy(rows[1], acc.at[dv[1]], ss[1]).wait()
    pltpu.make_async_copy(ones_v, cnt.at[dv[1]], cs[1]).wait()

    plsc.subcore_barrier()
    pltpu.sync_copy(acc.at[pl.ds(s_ax * RPT, RPT)],
                    part_o.at[c_ax, pl.ds(s_ax * RPT, RPT)])
    pltpu.sync_copy(cnt.at[pl.ds(s_ax * RPT, RPT)],
                    cnt_o.at[c_ax, pl.ds(s_ax * RPT, RPT)])

  return agg_kernel(ei_flat, x, ones_h, z_acc, z_cnt)


def _tc_root(x, W_r):
  R = 1000

  def body(x_ref, wr_ref, o_ref):
    dn = (((1,), (1,)), ((), ()))
    o_ref[...] = lax.dot_general(x_ref[...], wr_ref[...], dn,
                                 preferred_element_type=jnp.float32)

  return pl.pallas_call(
      body,
      grid=(N_NODES // R,),
      in_specs=[
          pl.BlockSpec((R, D), lambda i: (i, 0)),
          pl.BlockSpec((D, D), lambda i: (0, 0)),
      ],
      out_specs=pl.BlockSpec((R, D), lambda i: (i, 0)),
      out_shape=jax.ShapeDtypeStruct((N_NODES, D), jnp.float32),
  )(x, W_r)


def _tc_combine(part, cnt, x, root, W_l, b_l):
  R = 1000

  def body(part_ref, cnt_ref, x_ref, root_ref, wl_ref, bl_ref, o_ref):
    p = part_ref[0] + part_ref[1]
    deg = cnt_ref[0, :, 0:1] + cnt_ref[1, :, 0:1]
    agg = p / jnp.maximum(deg, 1.0)
    xb = x_ref[...]
    dn = (((1,), (1,)), ((), ()))
    h = (lax.dot_general(agg, wl_ref[...], dn,
                         preferred_element_type=jnp.float32)
         + bl_ref[...]
         + root_ref[...])
    o_ref[...] = xb + jnp.maximum(h, 0.0)

  return pl.pallas_call(
      body,
      grid=(N_NODES // R,),
      in_specs=[
          pl.BlockSpec((NC, R, D), lambda i: (0, i, 0)),
          pl.BlockSpec((NC, R, CW), lambda i: (0, i, 0)),
          pl.BlockSpec((R, D), lambda i: (i, 0)),
          pl.BlockSpec((R, D), lambda i: (i, 0)),
          pl.BlockSpec((D, D), lambda i: (0, 0)),
          pl.BlockSpec((1, D), lambda i: (0, 0)),
      ],
      out_specs=pl.BlockSpec((R, D), lambda i: (i, 0)),
      out_shape=jax.ShapeDtypeStruct((N_NODES, D), jnp.float32),
  )(part, cnt, x, root, W_l, b_l)


@jax.jit
def kernel(x, edge_index, W_l, b_l, W_r):
  ei_flat = edge_index.astype(jnp.int32).ravel()
  ones_h = jnp.ones((K, CW), jnp.float32)
  z_acc = jnp.zeros((RPT, D), jnp.float32)
  z_cnt = jnp.zeros((RPT, CW), jnp.float32)
  root = _tc_root(x, W_r)
  part, cnt = _sc_aggregate(ei_flat, x, ones_h, z_acc, z_cnt)
  return _tc_combine(part, cnt, x, root, W_l, b_l.reshape(1, D))

# --- scband reference (transcript-rebuilt; emitter-appended) ---
"""Pipeline reference for scband-sage-31138512896564 (READ-ONLY COPY).

The authoritative reference and input builder live on the scoring server;
editing this copy changes nothing except your own understanding.
"""

import jax, jax.numpy as jnp
import numpy as np

N_NODES = 10000
N_EDGES = 320000
D = 128

def setup_inputs(seed: int = 0) -> dict:
    key = jax.random.key(seed)
    k1, k2, k3, k4, k5 = jax.random.split(key, 5)
    x = jax.random.normal(k1, (N_NODES, D), dtype=jnp.float32)
    edge_index = jax.random.randint(k2, (2, N_EDGES), 0, N_NODES, dtype=jnp.int64)
    # SAGEConv(nfeat, nfeat) params: lin_l (neighbor path, with bias), lin_r (root path, no bias)
    scale = 1.0 / np.sqrt(D)
    W_l = jax.random.uniform(k3, (D, D), dtype=jnp.float32, minval=-scale, maxval=scale)
    b_l = jnp.zeros((D,), dtype=jnp.float32)
    W_r = jax.random.uniform(k4, (D, D), dtype=jnp.float32, minval=-scale, maxval=scale)
    return {"x": x, "edge_index": edge_index, "W_l": W_l, "b_l": b_l, "W_r": W_r}

def reference(x, edge_index, W_l, b_l, W_r):
    # PyG SAGEConv with default mean aggregation:
    #   out = lin_l(mean_{j in N(i)} x_j) + lin_r(x_i)
    src = edge_index[0]
    dst = edge_index[1]
    msg = jnp.take(x, src, axis=0)                                   # gather [E, D]
    agg_sum = jax.ops.segment_sum(msg, dst, num_segments=N_NODES)    # scatter-add [N, D]
    cnt = jax.ops.segment_sum(jnp.ones((msg.shape[0],), dtype=x.dtype), dst, num_segments=N_NODES)
    cnt = jnp.maximum(cnt, 1.0)
    agg_mean = agg_sum / cnt[:, None]
    out = agg_mean @ W_l.T + b_l + x @ W_r.T
    return x + jax.nn.relu(out)

if __name__ == "__main__":
    import jax
    _d = setup_inputs()
    print(jax.jit(kernel)(*tuple(_d.values())))

</pallas_src>

<mosaic_0001>
#map = affine_map<(d0, d1) -> (0)>
#map1 = affine_map<(d0, d1) -> (0, 0)>
#map2 = affine_map<(d0, d1) -> (0, 0, 0)>
module attributes {stable_mosaic.version = 14 : i64} {
  func.func @agg_kernel(%arg0: i32, %arg1: i32, %arg2: memref<640000xi32, #tpu.memory_space<hbm>>, %arg3: memref<10000x128xf32, #tpu.memory_space<hbm>>, %arg4: memref<128x16xf32, #tpu.memory_space<hbm>>, %arg5: memref<640x128xf32, #tpu.memory_space<hbm>>, %arg6: memref<640x16xf32, #tpu.memory_space<hbm>>, %arg7: memref<2x10240x128xf32, #tpu.memory_space<hbm>>, %arg8: memref<2x10240x16xf32, #tpu.memory_space<hbm>>, %arg9: memref<128xi32, #tpu.memory_space<vmem>>, %arg10: memref<128xi32, #tpu.memory_space<vmem>>, %arg11: memref<128xi32, #tpu.memory_space<vmem>>, %arg12: memref<128xi32, #tpu.memory_space<vmem>>, %arg13: memref<16xi32, #tpu.memory_space<vmem>>, %arg14: memref<16xi32, #tpu.memory_space<vmem>>, %arg15: memref<128x128xf32, #tpu.memory_space<vmem>>, %arg16: memref<128x128xf32, #tpu.memory_space<vmem>>, %arg17: memref<128x16xf32, #tpu.memory_space<vmem>>, %arg18: memref<10240x128xf32, #tpu.memory_space<vmem_shared>>, %arg19: memref<10240x16xf32, #tpu.memory_space<vmem_shared>>, %arg20: memref<!tpu.dma_semaphore, #tpu.memory_space<semaphore_mem>>, %arg21: memref<!tpu.dma_semaphore, #tpu.memory_space<semaphore_mem>>, %arg22: memref<!tpu.dma_semaphore, #tpu.memory_space<semaphore_mem>>, %arg23: memref<!tpu.dma_semaphore, #tpu.memory_space<semaphore_mem>>, %arg24: memref<!tpu.dma_semaphore, #tpu.memory_space<semaphore_mem>>, %arg25: memref<!tpu.dma_semaphore, #tpu.memory_space<semaphore_mem>>, %arg26: memref<!tpu.dma_semaphore, #tpu.memory_space<semaphore_mem>>, %arg27: memref<!tpu.dma_semaphore, #tpu.memory_space<semaphore_mem>>, %arg28: memref<!tpu.dma_semaphore, #tpu.memory_space<semaphore_mem>>, %arg29: memref<!tpu.dma_semaphore, #tpu.memory_space<semaphore_mem>>) attributes {dimension_semantics = [#tpu.dimension_semantics<core_parallel>, #tpu.dimension_semantics<subcore_parallel>], iteration_bounds = array<i64: 2, 16>, scalar_prefetch = 0 : i64, scratch_operands = 21 : i64, tpu.core_type = #tpu.core_type<sc_vector_subcore>, window_params = [{transform_indices = #map}, {transform_indices = #map1}, {transform_indices = #map1}, {transform_indices = #map1}, {transform_indices = #map1}, {transform_indices = #map2}, {transform_indices = #map2}]} {
    %mul3A = arith.constant 2 : i32
    %mul3A_0 = arith.muli %arg1, %mul3A : i32
    %add3A = arith.addi %mul3A_0, %arg0 : i32
    %mul3A_1 = arith.constant 10000 : i32
    %mul3A_2 = arith.muli %add3A, %mul3A_1 : i32
    %add3A_3 = arith.constant 0 : i32
    %add3A_4 = arith.addi %mul3A_2, %add3A_3 : i32
    "tpu.region"() ({
      %run_scoped3A = tpu.sem_alloc : memref<!tpu.dma_semaphore, #tpu.memory_space<semaphore_mem>>
      %dma_start3A_149 = tpu.memref_slice %arg2[%add3A_4] : memref<640000xi32, #tpu.memory_space<hbm>> -> memref<128xi32, #tpu.memory_space<hbm>>
      %dma_start3A_150 = tpu.memref_slice %arg2[%add3A_4] : memref<640000xi32, #tpu.memory_space<hbm>> -> memref<128xi32, #tpu.memory_space<hbm>>
      tpu.enqueue_dma source(%dma_start3A_150 : memref<128xi32, #tpu.memory_space<hbm>>) target(%arg9 : memref<128xi32, #tpu.memory_space<vmem>>) target_semaphore(%run_scoped3A : memref<!tpu.dma_semaphore, #tpu.memory_space<semaphore_mem>>)
      %dma_wait3A_151 = tpu.memref_slice %arg2[%add3A_4] : memref<640000xi32, #tpu.memory_space<hbm>> -> memref<128xi32, #tpu.memory_space<hbm>>
      %dma_wait3A_152 = tpu.memref_slice %arg2[%add3A_4] : memref<640000xi32, #tpu.memory_space<hbm>> -> memref<128xi32, #tpu.memory_space<hbm>>
      tpu.wait_dma2 semaphore(%run_scoped3A : memref<!tpu.dma_semaphore, #tpu.memory_space<semaphore_mem>>) src(%dma_wait3A_152 : memref<128xi32, #tpu.memory_space<hbm>>) dst(%arg9 : memref<128xi32, #tpu.memory_space<vmem>>)
      tpu.yield
    }) : () -> ()
    %dma_start3A = arith.constant 0 : i32
    %dma_start3A_5 = arith.constant 0 : i32
    %dma_start3A_6 = tpu.memref_slice %arg3[%dma_start3A, %dma_start3A_5] : memref<10000x128xf32, #tpu.memory_space<hbm>> -> memref<10000x128xf32, #tpu.memory_space<hbm>>
    tpu.enqueue_indirect_dma source(%dma_start3A_6 : memref<10000x128xf32, #tpu.memory_space<hbm>>) target(%arg15 : memref<128x128xf32, #tpu.memory_space<vmem>>) offsets(%arg9 : memref<128xi32, #tpu.memory_space<vmem>>) semaphore(%arg20 : memref<!tpu.dma_semaphore, #tpu.memory_space<semaphore_mem>>)
    %add3A_7 = arith.constant 320000 : i32
    %add3A_8 = arith.addi %add3A_7, %mul3A_2 : i32
    %add3A_9 = arith.constant 0 : i32
    %add3A_10 = arith.addi %add3A_8, %add3A_9 : i32
    %dma_start3A_11 = tpu.memref_slice %arg2[%add3A_10] : memref<640000xi32, #tpu.memory_space<hbm>> -> memref<128xi32, #tpu.memory_space<hbm>>
    %dma_start3A_12 = tpu.memref_slice %arg2[%add3A_10] : memref<640000xi32, #tpu.memory_space<hbm>> -> memref<128xi32, #tpu.memory_space<hbm>>
    tpu.enqueue_dma source(%dma_start3A_12 : memref<128xi32, #tpu.memory_space<hbm>>) target(%arg11 : memref<128xi32, #tpu.memory_space<vmem>>) target_semaphore(%arg28 : memref<!tpu.dma_semaphore, #tpu.memory_space<semaphore_mem>>)
    %add3A_13 = arith.constant 128 : i32
    %add3A_14 = arith.addi %mul3A_2, %add3A_13 : i32
    %dma_start3A_15 = tpu.memref_slice %arg2[%add3A_14] : memref<640000xi32, #tpu.memory_space<hbm>> -> memref<128xi32, #tpu.memory_space<hbm>>
    %dma_start3A_16 = tpu.memref_slice %arg2[%add3A_14] : memref<640000xi32, #tpu.memory_space<hbm>> -> memref<128xi32, #tpu.memory_space<hbm>>
    tpu.enqueue_dma source(%dma_start3A_16 : memref<128xi32, #tpu.memory_space<hbm>>) target(%arg10 : memref<128xi32, #tpu.memory_space<vmem>>) target_semaphore(%arg27 : memref<!tpu.dma_semaphore, #tpu.memory_space<semaphore_mem>>)
    "tpu.region"() ({
      %run_scoped3A = tpu.sem_alloc : memref<!tpu.dma_semaphore, #tpu.memory_space<semaphore_mem>>
      tpu.enqueue_dma source(%arg4 : memref<128x16xf32, #tpu.memory_space<hbm>>) target(%arg17 : memref<128x16xf32, #tpu.memory_space<vmem>>) target_semaphore(%run_scoped3A : memref<!tpu.dma_semaphore, #tpu.memory_space<semaphore_mem>>)
      tpu.wait_dma2 semaphore(%run_scoped3A : memref<!tpu.dma_semaphore, #tpu.memory_space<semaphore_mem>>) src(%arg4 : memref<128x16xf32, #tpu.memory_space<hbm>>) dst(%arg17 : memref<128x16xf32, #tpu.memory_space<vmem>>)
      tpu.yield
    }) : () -> ()
    %mul3A_17 = arith.constant 640 : i32
    %mul3A_18 = arith.muli %arg1, %mul3A_17 : i32
    "tpu.region"() ({
      %run_scoped3A = tpu.sem_alloc : memref<!tpu.dma_semaphore, #tpu.memory_space<semaphore_mem>>
      %dma_start3A_149 = arith.constant 0 : i32
      %dma_start3A_150 = tpu.memref_slice %arg18[%mul3A_18, %dma_start3A_149] : memref<10240x128xf32, #tpu.memory_space<vmem_shared>> -> memref<640x128xf32, #tpu.memory_space<vmem_shared>>
      tpu.enqueue_dma source(%arg5 : memref<640x128xf32, #tpu.memory_space<hbm>>) target(%dma_start3A_150 : memref<640x128xf32, #tpu.memory_space<vmem_shared>>) target_semaphore(%run_scoped3A : memref<!tpu.dma_semaphore, #tpu.memory_space<semaphore_mem>>)
      %dma_wait3A_151 = arith.constant 0 : i32
      %dma_wait3A_152 = tpu.memref_slice %arg18[%mul3A_18, %dma_wait3A_151] : memref<10240x128xf32, #tpu.memory_space<vmem_shared>> -> memref<640x128xf32, #tpu.memory_space<vmem_shared>>
      tpu.wait_dma2 semaphore(%run_scoped3A : memref<!tpu.dma_semaphore, #tpu.memory_space<semaphore_mem>>) src(%arg5 : memref<640x128xf32, #tpu.memory_space<hbm>>) dst(%dma_wait3A_152 : memref<640x128xf32, #tpu.memory_space<vmem_shared>>)
      tpu.yield
    }) : () -> ()
    %mul3A_19 = arith.constant 640 : i32
    %mul3A_20 = arith.muli %arg1, %mul3A_19 : i32
    "tpu.region"() ({
      %run_scoped3A = tpu.sem_alloc : memref<!tpu.dma_semaphore, #tpu.memory_space<semaphore_mem>>
      %dma_start3A_149 = arith.constant 0 : i32
      %dma_start3A_150 = tpu.memref_slice %arg19[%mul3A_20, %dma_start3A_149] : memref<10240x16xf32, #tpu.memory_space<vmem_shared>> -> memref<640x16xf32, #tpu.memory_space<vmem_shared>>
      tpu.enqueue_dma source(%arg6 : memref<640x16xf32, #tpu.memory_space<hbm>>) target(%dma_start3A_150 : memref<640x16xf32, #tpu.memory_space<vmem_shared>>) target_semaphore(%run_scoped3A : memref<!tpu.dma_semaphore, #tpu.memory_space<semaphore_mem>>)
      %dma_wait3A_151 = arith.constant 0 : i32
      %dma_wait3A_152 = tpu.memref_slice %arg19[%mul3A_20, %dma_wait3A_151] : memref<10240x16xf32, #tpu.memory_space<vmem_shared>> -> memref<640x16xf32, #tpu.memory_space<vmem_shared>>
      tpu.wait_dma2 semaphore(%run_scoped3A : memref<!tpu.dma_semaphore, #tpu.memory_space<semaphore_mem>>) src(%arg6 : memref<640x16xf32, #tpu.memory_space<hbm>>) dst(%dma_wait3A_152 : memref<640x16xf32, #tpu.memory_space<vmem_shared>>)
      tpu.yield
    }) : () -> ()
    %barrier3A = arith.constant 0 : index
    tpu.barrier barrier_id(%barrier3A)
    %dma_wait3A = arith.constant 0 : i32
    %dma_wait3A_21 = arith.constant 0 : i32
    %dma_wait3A_22 = tpu.memref_slice %arg3[%dma_wait3A, %dma_wait3A_21] : memref<10000x128xf32, #tpu.memory_space<hbm>> -> memref<10000x128xf32, #tpu.memory_space<hbm>>
    tpu.wait_indirect_dma semaphore(%arg20 : memref<!tpu.dma_semaphore, #tpu.memory_space<semaphore_mem>>) src(%dma_wait3A_22 : memref<10000x128xf32, #tpu.memory_space<hbm>>) dst(%arg15 : memref<128x128xf32, #tpu.memory_space<vmem>>)
    %add3A_23 = arith.constant 320000 : i32
    %add3A_24 = arith.addi %add3A_23, %mul3A_2 : i32
    %add3A_25 = arith.constant 0 : i32
    %add3A_26 = arith.addi %add3A_24, %add3A_25 : i32
    %dma_wait3A_27 = tpu.memref_slice %arg2[%add3A_26] : memref<640000xi32, #tpu.memory_space<hbm>> -> memref<128xi32, #tpu.memory_space<hbm>>
    %dma_wait3A_28 = tpu.memref_slice %arg2[%add3A_26] : memref<640000xi32, #tpu.memory_space<hbm>> -> memref<128xi32, #tpu.memory_space<hbm>>
    tpu.wait_dma2 semaphore(%arg28 : memref<!tpu.dma_semaphore, #tpu.memory_space<semaphore_mem>>) src(%dma_wait3A_28 : memref<128xi32, #tpu.memory_space<hbm>>) dst(%arg11 : memref<128xi32, #tpu.memory_space<vmem>>)
    %dma_start3A_29 = arith.constant 0 : i32
    %dma_start3A_30 = arith.constant 0 : i32
    %dma_start3A_31 = tpu.memref_slice %arg18[%dma_start3A_29, %dma_start3A_30] : memref<10240x128xf32, #tpu.memory_space<vmem_shared>> -> memref<10240x128xf32, #tpu.memory_space<vmem_shared>>
    tpu.enqueue_indirect_dma source(%arg15 : memref<128x128xf32, #tpu.memory_space<vmem>>) target(%dma_start3A_31 : memref<10240x128xf32, #tpu.memory_space<vmem_shared>>) offsets(%arg11 : memref<128xi32, #tpu.memory_space<vmem>>) semaphore(%arg22 : memref<!tpu.dma_semaphore, #tpu.memory_space<semaphore_mem>>) {add = true}
    %dma_start3A_32 = arith.constant 0 : i32
    %dma_start3A_33 = arith.constant 0 : i32
    %dma_start3A_34 = tpu.memref_slice %arg19[%dma_start3A_32, %dma_start3A_33] : memref<10240x16xf32, #tpu.memory_space<vmem_shared>> -> memref<10240x16xf32, #tpu.memory_space<vmem_shared>>
    tpu.enqueue_indirect_dma source(%arg17 : memref<128x16xf32, #tpu.memory_space<vmem>>) target(%dma_start3A_34 : memref<10240x16xf32, #tpu.memory_space<vmem_shared>>) offsets(%arg11 : memref<128xi32, #tpu.memory_space<vmem>>) semaphore(%arg24 : memref<!tpu.dma_semaphore, #tpu.memory_space<semaphore_mem>>) {add = true}
    %add3A_35 = arith.constant 320000 : i32
    %add3A_36 = arith.addi %add3A_35, %mul3A_2 : i32
    %add3A_37 = arith.constant 128 : i32
    %add3A_38 = arith.addi %add3A_36, %add3A_37 : i32
    %dma_start3A_39 = tpu.memref_slice %arg2[%add3A_38] : memref<640000xi32, #tpu.memory_space<hbm>> -> memref<128xi32, #tpu.memory_space<hbm>>
    %dma_start3A_40 = tpu.memref_slice %arg2[%add3A_38] : memref<640000xi32, #tpu.memory_space<hbm>> -> memref<128xi32, #tpu.memory_space<hbm>>
    tpu.enqueue_dma source(%dma_start3A_40 : memref<128xi32, #tpu.memory_space<hbm>>) target(%arg12 : memref<128xi32, #tpu.memory_space<vmem>>) target_semaphore(%arg29 : memref<!tpu.dma_semaphore, #tpu.memory_space<semaphore_mem>>)
    %add3A_41 = arith.constant 256 : i32
    %add3A_42 = arith.addi %mul3A_2, %add3A_41 : i32
    %dma_start3A_43 = tpu.memref_slice %arg2[%add3A_42] : memref<640000xi32, #tpu.memory_space<hbm>> -> memref<128xi32, #tpu.memory_space<hbm>>
    %dma_start3A_44 = tpu.memref_slice %arg2[%add3A_42] : memref<640000xi32, #tpu.memory_space<hbm>> -> memref<128xi32, #tpu.memory_space<hbm>>
    tpu.enqueue_dma source(%dma_start3A_44 : memref<128xi32, #tpu.memory_space<hbm>>) target(%arg9 : memref<128xi32, #tpu.memory_space<vmem>>) target_semaphore(%arg26 : memref<!tpu.dma_semaphore, #tpu.memory_space<semaphore_mem>>)
    %add3A_45 = arith.constant 128 : i32
    %add3A_46 = arith.addi %mul3A_2, %add3A_45 : i32
    %dma_wait3A_47 = tpu.memref_slice %arg2[%add3A_46] : memref<640000xi32, #tpu.memory_space<hbm>> -> memref<128xi32, #tpu.memory_space<hbm>>
    %dma_wait3A_48 = tpu.memref_slice %arg2[%add3A_46] : memref<640000xi32, #tpu.memory_space<hbm>> -> memref<128xi32, #tpu.memory_space<hbm>>
    tpu.wait_dma2 semaphore(%arg27 : memref<!tpu.dma_semaphore, #tpu.memory_space<semaphore_mem>>) src(%dma_wait3A_48 : memref<128xi32, #tpu.memory_space<hbm>>) dst(%arg10 : memref<128xi32, #tpu.memory_space<vmem>>)
    %dma_start3A_49 = arith.constant 0 : i32
    %dma_start3A_50 = arith.constant 0 : i32
    %dma_start3A_51 = tpu.memref_slice %arg3[%dma_start3A_49, %dma_start3A_50] : memref<10000x128xf32, #tpu.memory_space<hbm>> -> memref<10000x128xf32, #tpu.memory_space<hbm>>
    tpu.enqueue_indirect_dma source(%dma_start3A_51 : memref<10000x128xf32, #tpu.memory_space<hbm>>) target(%arg16 : memref<128x128xf32, #tpu.memory_space<vmem>>) offsets(%arg10 : memref<128xi32, #tpu.memory_space<vmem>>) semaphore(%arg21 : memref<!tpu.dma_semaphore, #tpu.memory_space<semaphore_mem>>)
    %dma_wait3A_52 = arith.constant 0 : i32
    %dma_wait3A_53 = arith.constant 0 : i32
    %dma_wait3A_54 = tpu.memref_slice %arg3[%dma_wait3A_52, %dma_wait3A_53] : memref<10000x128xf32, #tpu.memory_space<hbm>> -> memref<10000x128xf32, #tpu.memory_space<hbm>>
    tpu.wait_indirect_dma semaphore(%arg21 : memref<!tpu.dma_semaphore, #tpu.memory_space<semaphore_mem>>) src(%dma_wait3A_54 : memref<10000x128xf32, #tpu.memory_space<hbm>>) dst(%arg16 : memref<128x128xf32, #tpu.memory_space<vmem>>)
    %add3A_55 = arith.constant 384 : i32
    %add3A_56 = arith.addi %mul3A_2, %add3A_55 : i32
    %dma_start3A_57 = tpu.memref_slice %arg2[%add3A_56] : memref<640000xi32, #tpu.memory_space<hbm>> -> memref<128xi32, #tpu.memory_space<hbm>>
    %dma_start3A_58 = tpu.memref_slice %arg2[%add3A_56] : memref<640000xi32, #tpu.memory_space<hbm>> -> memref<128xi32, #tpu.memory_space<hbm>>
    tpu.enqueue_dma source(%dma_start3A_58 : memref<128xi32, #tpu.memory_space<hbm>>) target(%arg10 : memref<128xi32, #tpu.memory_space<vmem>>) target_semaphore(%arg27 : memref<!tpu.dma_semaphore, #tpu.memory_space<semaphore_mem>>)
    %add3A_59 = arith.constant 320000 : i32
    %add3A_60 = arith.addi %add3A_59, %mul3A_2 : i32
    %add3A_61 = arith.constant 128 : i32
    %add3A_62 = arith.addi %add3A_60, %add3A_61 : i32
    %dma_wait3A_63 = tpu.memref_slice %arg2[%add3A_62] : memref<640000xi32, #tpu.memory_space<hbm>> -> memref<128xi32, #tpu.memory_space<hbm>>
    %dma_wait3A_64 = tpu.memref_slice %arg2[%add3A_62] : memref<640000xi32, #tpu.memory_space<hbm>> -> memref<128xi32, #tpu.memory_space<hbm>>
    tpu.wait_dma2 semaphore(%arg29 : memref<!tpu.dma_semaphore, #tpu.memory_space<semaphore_mem>>) src(%dma_wait3A_64 : memref<128xi32, #tpu.memory_space<hbm>>) dst(%arg12 : memref<128xi32, #tpu.memory_space<vmem>>)
    %dma_start3A_65 = arith.constant 0 : i32
    %dma_start3A_66 = arith.constant 0 : i32
    %dma_start3A_67 = tpu.memref_slice %arg18[%dma_start3A_65, %dma_start3A_66] : memref<10240x128xf32, #tpu.memory_space<vmem_shared>> -> memref<10240x128xf32, #tpu.memory_space<vmem_shared>>
    tpu.enqueue_indirect_dma source(%arg16 : memref<128x128xf32, #tpu.memory_space<vmem>>) target(%dma_start3A_67 : memref<10240x128xf32, #tpu.memory_space<vmem_shared>>) offsets(%arg12 : memref<128xi32, #tpu.memory_space<vmem>>) semaphore(%arg23 : memref<!tpu.dma_semaphore, #tpu.memory_space<semaphore_mem>>) {add = true}
    %dma_start3A_68 = arith.constant 0 : i32
    %dma_start3A_69 = arith.constant 0 : i32
    %dma_start3A_70 = tpu.memref_slice %arg19[%dma_start3A_68, %dma_start3A_69] : memref<10240x16xf32, #tpu.memory_space<vmem_shared>> -> memref<10240x16xf32, #tpu.memory_space<vmem_shared>>
    tpu.enqueue_indirect_dma source(%arg17 : memref<128x16xf32, #tpu.memory_space<vmem>>) target(%dma_start3A_70 : memref<10240x16xf32, #tpu.memory_space<vmem_shared>>) offsets(%arg12 : memref<128xi32, #tpu.memory_space<vmem>>) semaphore(%arg25 : memref<!tpu.dma_semaphore, #tpu.memory_space<semaphore_mem>>) {add = true}
    %dma_wait3A_71 = arith.constant 0 : i32
    %dma_wait3A_72 = arith.constant 0 : i32
    %dma_wait3A_73 = tpu.memref_slice %arg18[%dma_wait3A_71, %dma_wait3A_72] : memref<10240x128xf32, #tpu.memory_space<vmem_shared>> -> memref<10240x128xf32, #tpu.memory_space<vmem_shared>>
    tpu.wait_indirect_dma semaphore(%arg22 : memref<!tpu.dma_semaphore, #tpu.memory_space<semaphore_mem>>) src(%arg15 : memref<128x128xf32, #tpu.memory_space<vmem>>) dst(%dma_wait3A_73 : memref<10240x128xf32, #tpu.memory_space<vmem_shared>>)
    %dma_wait3A_74 = arith.constant 0 : i32
    %dma_wait3A_75 = arith.constant 0 : i32
    %dma_wait3A_76 = tpu.memref_slice %arg19[%dma_wait3A_74, %dma_wait3A_75] : memref<10240x16xf32, #tpu.memory_space<vmem_shared>> -> memref<10240x16xf32, #tpu.memory_space<vmem_shared>>
    tpu.wait_indirect_dma semaphore(%arg24 : memref<!tpu.dma_semaphore, #tpu.memory_space<semaphore_mem>>) src(%arg17 : memref<128x16xf32, #tpu.memory_space<vmem>>) dst(%dma_wait3A_76 : memref<10240x16xf32, #tpu.memory_space<vmem_shared>>)
    %add3A_77 = arith.constant 320000 : i32
    %add3A_78 = arith.addi %add3A_77, %mul3A_2 : i32
    %add3A_79 = arith.constant 256 : i32
    %add3A_80 = arith.addi %add3A_78, %add3A_79 : i32
    %dma_start3A_81 = tpu.memref_slice %arg2[%add3A_80] : memref<640000xi32, #tpu.memory_space<hbm>> -> memref<128xi32, #tpu.memory_space<hbm>>
    %dma_start3A_82 = tpu.memref_slice %arg2[%add3A_80] : memref<640000xi32, #tpu.memory_space<hbm>> -> memref<128xi32, #tpu.memory_space<hbm>>
    tpu.enqueue_dma source(%dma_start3A_82 : memref<128xi32, #tpu.memory_space<hbm>>) target(%arg11 : memref<128xi32, #tpu.memory_space<vmem>>) target_semaphore(%arg28 : memref<!tpu.dma_semaphore, #tpu.memory_space<semaphore_mem>>)
    %add3A_83 = arith.constant 256 : i32
    %add3A_84 = arith.addi %mul3A_2, %add3A_83 : i32
    %dma_wait3A_85 = tpu.memref_slice %arg2[%add3A_84] : memref<640000xi32, #tpu.memory_space<hbm>> -> memref<128xi32, #tpu.memory_space<hbm>>
    %dma_wait3A_86 = tpu.memref_slice %arg2[%add3A_84] : memref<640000xi32, #tpu.memory_space<hbm>> -> memref<128xi32, #tpu.memory_space<hbm>>
    tpu.wait_dma2 semaphore(%arg26 : memref<!tpu.dma_semaphore, #tpu.memory_space<semaphore_mem>>) src(%dma_wait3A_86 : memref<128xi32, #tpu.memory_space<hbm>>) dst(%arg9 : memref<128xi32, #tpu.memory_space<vmem>>)
    %dma_start3A_87 = arith.constant 0 : i32
    %dma_start3A_88 = arith.constant 0 : i32
    %dma_start3A_89 = tpu.memref_slice %arg3[%dma_start3A_87, %dma_start3A_88] : memref<10000x128xf32, #tpu.memory_space<hbm>> -> memref<10000x128xf32, #tpu.memory_space<hbm>>
    tpu.enqueue_indirect_dma source(%dma_start3A_89 : memref<10000x128xf32, #tpu.memory_space<hbm>>) target(%arg15 : memref<128x128xf32, #tpu.memory_space<vmem>>) offsets(%arg9 : memref<128xi32, #tpu.memory_space<vmem>>) semaphore(%arg20 : memref<!tpu.dma_semaphore, #tpu.memory_space<semaphore_mem>>)
    %scan3A = arith.constant 0 : i32
    %scan3A_90 = arith.constant 38 : i32
    %scan3A_91 = arith.addi %scan3A, %scan3A_90 : i32
    %scan3A_92 = arith.constant 1 : i32
    scf.for %scan3A_149 = %scan3A to %scan3A_91 step %scan3A_92  : i32 {
      %mul3A_150 = arith.constant 2 : i32
      %mul3A_151 = arith.muli %scan3A_149, %mul3A_150 : i32
      %add3A_152 = arith.constant 2 : i32
      %add3A_153 = arith.addi %add3A_152, %mul3A_151 : i32
      %add3A_154 = arith.constant 0 : i32
      %add3A_155 = arith.addi %add3A_153, %add3A_154 : i32
      %dma_wait3A_156 = arith.constant 0 : i32
      %dma_wait3A_157 = arith.constant 0 : i32
      %dma_wait3A_158 = tpu.memref_slice %arg3[%dma_wait3A_156, %dma_wait3A_157] : memref<10000x128xf32, #tpu.memory_space<hbm>> -> memref<10000x128xf32, #tpu.memory_space<hbm>>
      tpu.wait_indirect_dma semaphore(%arg20 : memref<!tpu.dma_semaphore, #tpu.memory_space<semaphore_mem>>) src(%dma_wait3A_158 : memref<10000x128xf32, #tpu.memory_space<hbm>>) dst(%arg15 : memref<128x128xf32, #tpu.memory_space<vmem>>)
      %add3A_159 = arith.constant 2 : i32
      %add3A_160 = arith.addi %add3A_155, %add3A_159 : i32
      %lt3A = arith.constant 78 : i32
      %lt3A_161 = arith.cmpi slt, %add3A_160, %lt3A : i32
      %convert_element_type3A = arith.extui %lt3A_161 : i1 to i32
      %cond3A = arith.constant 0 : i32
      %cond3A_162 = arith.cmpi ne, %convert_element_type3A, %cond3A : i32
      scf.if %cond3A_162 {
        %add3A_227 = arith.constant 2 : i32
        %add3A_228 = arith.addi %add3A_155, %add3A_227 : i32
        %mul3A_229 = arith.constant 128 : i32
        %mul3A_230 = arith.muli %add3A_228, %mul3A_229 : i32
        %add3A_231 = arith.addi %mul3A_2, %mul3A_230 : i32
        %dma_start3A_232 = tpu.memref_slice %arg2[%add3A_231] : memref<640000xi32, #tpu.memory_space<hbm>> -> memref<128xi32, #tpu.memory_space<hbm>>
        %dma_start3A_233 = tpu.memref_slice %arg2[%add3A_231] : memref<640000xi32, #tpu.memory_space<hbm>> -> memref<128xi32, #tpu.memory_space<hbm>>
        tpu.enqueue_dma source(%dma_start3A_233 : memref<128xi32, #tpu.memory_space<hbm>>) target(%arg9 : memref<128xi32, #tpu.memory_space<vmem>>) target_semaphore(%arg26 : memref<!tpu.dma_semaphore, #tpu.memory_space<semaphore_mem>>)
      } else {
      }
      %add3A_163 = arith.constant 320000 : i32
      %add3A_164 = arith.addi %add3A_163, %mul3A_2 : i32
      %mul3A_165 = arith.constant 128 : i32
      %mul3A_166 = arith.muli %add3A_155, %mul3A_165 : i32
      %add3A_167 = arith.addi %add3A_164, %mul3A_166 : i32
      %dma_wait3A_168 = tpu.memref_slice %arg2[%add3A_167] : memref<640000xi32, #tpu.memory_space<hbm>> -> memref<128xi32, #tpu.memory_space<hbm>>
      %dma_wait3A_169 = tpu.memref_slice %arg2[%add3A_167] : memref<640000xi32, #tpu.memory_space<hbm>> -> memref<128xi32, #tpu.memory_space<hbm>>
      tpu.wait_dma2 semaphore(%arg28 : memref<!tpu.dma_semaphore, #tpu.memory_space<semaphore_mem>>) src(%dma_wait3A_169 : memref<128xi32, #tpu.memory_space<hbm>>) dst(%arg11 : memref<128xi32, #tpu.memory_space<vmem>>)
      %dma_start3A_170 = arith.constant 0 : i32
      %dma_start3A_171 = arith.constant 0 : i32
      %dma_start3A_172 = tpu.memref_slice %arg18[%dma_start3A_170, %dma_start3A_171] : memref<10240x128xf32, #tpu.memory_space<vmem_shared>> -> memref<10240x128xf32, #tpu.memory_space<vmem_shared>>
      tpu.enqueue_indirect_dma source(%arg15 : memref<128x128xf32, #tpu.memory_space<vmem>>) target(%dma_start3A_172 : memref<10240x128xf32, #tpu.memory_space<vmem_shared>>) offsets(%arg11 : memref<128xi32, #tpu.memory_space<vmem>>) semaphore(%arg22 : memref<!tpu.dma_semaphore, #tpu.memory_space<semaphore_mem>>) {add = true}
      %dma_start3A_173 = arith.constant 0 : i32
      %dma_start3A_174 = arith.constant 0 : i32
      %dma_start3A_175 = tpu.memref_slice %arg19[%dma_start3A_173, %dma_start3A_174] : memref<10240x16xf32, #tpu.memory_space<vmem_shared>> -> memref<10240x16xf32, #tpu.memory_space<vmem_shared>>
      tpu.enqueue_indirect_dma source(%arg17 : memref<128x16xf32, #tpu.memory_space<vmem>>) target(%dma_start3A_175 : memref<10240x16xf32, #tpu.memory_space<vmem_shared>>) offsets(%arg11 : memref<128xi32, #tpu.memory_space<vmem>>) semaphore(%arg24 : memref<!tpu.dma_semaphore, #tpu.memory_space<semaphore_mem>>) {add = true}
      %dma_wait3A_176 = arith.constant 0 : i32
      %dma_wait3A_177 = arith.constant 0 : i32
      %dma_wait3A_178 = tpu.memref_slice %arg18[%dma_wait3A_176, %dma_wait3A_177] : memref<10240x128xf32, #tpu.memory_space<vmem_shared>> -> memref<10240x128xf32, #tpu.memory_space<vmem_shared>>
      tpu.wait_indirect_dma semaphore(%arg23 : memref<!tpu.dma_semaphore, #tpu.memory_space<semaphore_mem>>) src(%arg16 : memref<128x128xf32, #tpu.memory_space<vmem>>) dst(%dma_wait3A_178 : memref<10240x128xf32, #tpu.memory_space<vmem_shared>>)
      %dma_wait3A_179 = arith.constant 0 : i32
      %dma_wait3A_180 = arith.constant 0 : i32
      %dma_wait3A_181 = tpu.memref_slice %arg19[%dma_wait3A_179, %dma_wait3A_180] : memref<10240x16xf32, #tpu.memory_space<vmem_shared>> -> memref<10240x16xf32, #tpu.memory_space<vmem_shared>>
      tpu.wait_indirect_dma semaphore(%arg25 : memref<!tpu.dma_semaphore, #tpu.memory_space<semaphore_mem>>) src(%arg17 : memref<128x16xf32, #tpu.memory_space<vmem>>) dst(%dma_wait3A_181 : memref<10240x16xf32, #tpu.memory_space<vmem_shared>>)
      %add3A_182 = arith.constant 1 : i32
      %add3A_183 = arith.addi %add3A_155, %add3A_182 : i32
      %lt3A_184 = arith.constant 78 : i32
      %lt3A_185 = arith.cmpi slt, %add3A_183, %lt3A_184 : i32
      %convert_element_type3A_186 = arith.extui %lt3A_185 : i1 to i32
      %cond3A_187 = arith.constant 0 : i32
      %cond3A_188 = arith.cmpi ne, %convert_element_type3A_186, %cond3A_187 : i32
      scf.if %cond3A_188 {
        %add3A_227 = arith.constant 1 : i32
        %add3A_228 = arith.addi %add3A_155, %add3A_227 : i32
        %add3A_229 = arith.constant 320000 : i32
        %add3A_230 = arith.addi %add3A_229, %mul3A_2 : i32
        %mul3A_231 = arith.constant 128 : i32
        %mul3A_232 = arith.muli %add3A_228, %mul3A_231 : i32
        %add3A_233 = arith.addi %add3A_230, %mul3A_232 : i32
        %dma_start3A_234 = tpu.memref_slice %arg2[%add3A_233] : memref<640000xi32, #tpu.memory_space<hbm>> -> memref<128xi32, #tpu.memory_space<hbm>>
        %dma_start3A_235 = tpu.memref_slice %arg2[%add3A_233] : memref<640000xi32, #tpu.memory_space<hbm>> -> memref<128xi32, #tpu.memory_space<hbm>>
        tpu.enqueue_dma source(%dma_start3A_235 : memref<128xi32, #tpu.memory_space<hbm>>) target(%arg12 : memref<128xi32, #tpu.memory_space<vmem>>) target_semaphore(%arg29 : memref<!tpu.dma_semaphore, #tpu.memory_space<semaphore_mem>>)
        %add3A_236 = arith.constant 1 : i32
        %add3A_237 = arith.addi %add3A_155, %add3A_236 : i32
        %mul3A_238 = arith.constant 128 : i32
        %mul3A_239 = arith.muli %add3A_237, %mul3A_238 : i32
        %add3A_240 = arith.addi %mul3A_2, %mul3A_239 : i32
        %dma_wait3A_241 = tpu.memref_slice %arg2[%add3A_240] : memref<640000xi32, #tpu.memory_space<hbm>> -> memref<128xi32, #tpu.memory_space<hbm>>
        %dma_wait3A_242 = tpu.memref_slice %arg2[%add3A_240] : memref<640000xi32, #tpu.memory_space<hbm>> -> memref<128xi32, #tpu.memory_space<hbm>>
        tpu.wait_dma2 semaphore(%arg27 : memref<!tpu.dma_semaphore, #tpu.memory_space<semaphore_mem>>) src(%dma_wait3A_242 : memref<128xi32, #tpu.memory_space<hbm>>) dst(%arg10 : memref<128xi32, #tpu.memory_space<vmem>>)
        %dma_start3A_243 = arith.constant 0 : i32
        %dma_start3A_244 = arith.constant 0 : i32
        %dma_start3A_245 = tpu.memref_slice %arg3[%dma_start3A_243, %dma_start3A_244] : memref<10000x128xf32, #tpu.memory_space<hbm>> -> memref<10000x128xf32, #tpu.memory_space<hbm>>
        tpu.enqueue_indirect_dma source(%dma_start3A_245 : memref<10000x128xf32, #tpu.memory_space<hbm>>) target(%arg16 : memref<128x128xf32, #tpu.memory_space<vmem>>) offsets(%arg10 : memref<128xi32, #tpu.memory_space<vmem>>) semaphore(%arg21 : memref<!tpu.dma_semaphore, #tpu.memory_space<semaphore_mem>>)
      } else {
      }
      %add3A_189 = arith.constant 1 : i32
      %add3A_190 = arith.addi %add3A_153, %add3A_189 : i32
      %dma_wait3A_191 = arith.constant 0 : i32
      %dma_wait3A_192 = arith.constant 0 : i32
      %dma_wait3A_193 = tpu.memref_slice %arg3[%dma_wait3A_191, %dma_wait3A_192] : memref<10000x128xf32, #tpu.memory_space<hbm>> -> memref<10000x128xf32, #tpu.memory_space<hbm>>
      tpu.wait_indirect_dma semaphore(%arg21 : memref<!tpu.dma_semaphore, #tpu.memory_space<semaphore_mem>>) src(%dma_wait3A_193 : memref<10000x128xf32, #tpu.memory_space<hbm>>) dst(%arg16 : memref<128x128xf32, #tpu.memory_space<vmem>>)
      %add3A_194 = arith.constant 2 : i32
      %add3A_195 = arith.addi %add3A_190, %add3A_194 : i32
      %lt3A_196 = arith.constant 78 : i32
      %lt3A_197 = arith.cmpi slt, %add3A_195, %lt3A_196 : i32
      %convert_element_type3A_198 = arith.extui %lt3A_197 : i1 to i32
      %cond3A_199 = arith.constant 0 : i32
      %cond3A_200 = arith.cmpi ne, %convert_element_type3A_198, %cond3A_199 : i32
      scf.if %cond3A_200 {
        %add3A_227 = arith.constant 2 : i32
        %add3A_228 = arith.addi %add3A_190, %add3A_227 : i32
        %mul3A_229 = arith.constant 128 : i32
        %mul3A_230 = arith.muli %add3A_228, %mul3A_229 : i32
        %add3A_231 = arith.addi %mul3A_2, %mul3A_230 : i32
        %dma_start3A_232 = tpu.memref_slice %arg2[%add3A_231] : memref<640000xi32, #tpu.memory_space<hbm>> -> memref<128xi32, #tpu.memory_space<hbm>>
        %dma_start3A_233 = tpu.memref_slice %arg2[%add3A_231] : memref<640000xi32, #tpu.memory_space<hbm>> -> memref<128xi32, #tpu.memory_space<hbm>>
        tpu.enqueue_dma source(%dma_start3A_233 : memref<128xi32, #tpu.memory_space<hbm>>) target(%arg10 : memref<128xi32, #tpu.memory_space<vmem>>) target_semaphore(%arg27 : memref<!tpu.dma_semaphore, #tpu.memory_space<semaphore_mem>>)
      } else {
      }
      %add3A_201 = arith.constant 320000 : i32
      %add3A_202 = arith.addi %add3A_201, %mul3A_2 : i32
      %mul3A_203 = arith.constant 128 : i32
      %mul3A_204 = arith.muli %add3A_190, %mul3A_203 : i32
      %add3A_205 = arith.addi %add3A_202, %mul3A_204 : i32
      %dma_wait3A_206 = tpu.memref_slice %arg2[%add3A_205] : memref<640000xi32, #tpu.memory_space<hbm>> -> memref<128xi32, #tpu.memory_space<hbm>>
      %dma_wait3A_207 = tpu.memref_slice %arg2[%add3A_205] : memref<640000xi32, #tpu.memory_space<hbm>> -> memref<128xi32, #tpu.memory_space<hbm>>
      tpu.wait_dma2 semaphore(%arg29 : memref<!tpu.dma_semaphore, #tpu.memory_space<semaphore_mem>>) src(%dma_wait3A_207 : memref<128xi32, #tpu.memory_space<hbm>>) dst(%arg12 : memref<128xi32, #tpu.memory_space<vmem>>)
      %dma_start3A_208 = arith.constant 0 : i32
      %dma_start3A_209 = arith.constant 0 : i32
      %dma_start3A_210 = tpu.memref_slice %arg18[%dma_start3A_208, %dma_start3A_209] : memref<10240x128xf32, #tpu.memory_space<vmem_shared>> -> memref<10240x128xf32, #tpu.memory_space<vmem_shared>>
      tpu.enqueue_indirect_dma source(%arg16 : memref<128x128xf32, #tpu.memory_space<vmem>>) target(%dma_start3A_210 : memref<10240x128xf32, #tpu.memory_space<vmem_shared>>) offsets(%arg12 : memref<128xi32, #tpu.memory_space<vmem>>) semaphore(%arg23 : memref<!tpu.dma_semaphore, #tpu.memory_space<semaphore_mem>>) {add = true}
      %dma_start3A_211 = arith.constant 0 : i32
      %dma_start3A_212 = arith.constant 0 : i32
      %dma_start3A_213 = tpu.memref_slice %arg19[%dma_start3A_211, %dma_start3A_212] : memref<10240x16xf32, #tpu.memory_space<vmem_shared>> -> memref<10240x16xf32, #tpu.memory_space<vmem_shared>>
      tpu.enqueue_indirect_dma source(%arg17 : memref<128x16xf32, #tpu.memory_space<vmem>>) target(%dma_start3A_213 : memref<10240x16xf32, #tpu.memory_space<vmem_shared>>) offsets(%arg12 : memref<128xi32, #tpu.memory_space<vmem>>) semaphore(%arg25 : memref<!tpu.dma_semaphore, #tpu.memory_space<semaphore_mem>>) {add = true}
      %dma_wait3A_214 = arith.constant 0 : i32
      %dma_wait3A_215 = arith.constant 0 : i32
      %dma_wait3A_216 = tpu.memref_slice %arg18[%dma_wait3A_214, %dma_wait3A_215] : memref<10240x128xf32, #tpu.memory_space<vmem_shared>> -> memref<10240x128xf32, #tpu.memory_space<vmem_shared>>
      tpu.wait_indirect_dma semaphore(%arg22 : memref<!tpu.dma_semaphore, #tpu.memory_space<semaphore_mem>>) src(%arg15 : memref<128x128xf32, #tpu.memory_space<vmem>>) dst(%dma_wait3A_216 : memref<10240x128xf32, #tpu.memory_space<vmem_shared>>)
      %dma_wait3A_217 = arith.constant 0 : i32
      %dma_wait3A_218 = arith.constant 0 : i32
      %dma_wait3A_219 = tpu.memref_slice %arg19[%dma_wait3A_217, %dma_wait3A_218] : memref<10240x16xf32, #tpu.memory_space<vmem_shared>> -> memref<10240x16xf32, #tpu.memory_space<vmem_shared>>
      tpu.wait_indirect_dma semaphore(%arg24 : memref<!tpu.dma_semaphore, #tpu.memory_space<semaphore_mem>>) src(%arg17 : memref<128x16xf32, #tpu.memory_space<vmem>>) dst(%dma_wait3A_219 : memref<10240x16xf32, #tpu.memory_space<vmem_shared>>)
      %add3A_220 = arith.constant 1 : i32
      %add3A_221 = arith.addi %add3A_190, %add3A_220 : i32
      %lt3A_222 = arith.constant 78 : i32
      %lt3A_223 = arith.cmpi slt, %add3A_221, %lt3A_222 : i32
      %convert_element_type3A_224 = arith.extui %lt3A_223 : i1 to i32
      %cond3A_225 = arith.constant 0 : i32
      %cond3A_226 = arith.cmpi ne, %convert_element_type3A_224, %cond3A_225 : i32
      scf.if %cond3A_226 {
        %add3A_227 = arith.constant 1 : i32
        %add3A_228 = arith.addi %add3A_190, %add3A_227 : i32
        %add3A_229 = arith.constant 320000 : i32
        %add3A_230 = arith.addi %add3A_229, %mul3A_2 : i32
        %mul3A_231 = arith.constant 128 : i32
        %mul3A_232 = arith.muli %add3A_228, %mul3A_231 : i32
        %add3A_233 = arith.addi %add3A_230, %mul3A_232 : i32
        %dma_start3A_234 = tpu.memref_slice %arg2[%add3A_233] : memref<640000xi32, #tpu.memory_space<hbm>> -> memref<128xi32, #tpu.memory_space<hbm>>
        %dma_start3A_235 = tpu.memref_slice %arg2[%add3A_233] : memref<640000xi32, #tpu.memory_space<hbm>> -> memref<128xi32, #tpu.memory_space<hbm>>
        tpu.enqueue_dma source(%dma_start3A_235 : memref<128xi32, #tpu.memory_space<hbm>>) target(%arg11 : memref<128xi32, #tpu.memory_space<vmem>>) target_semaphore(%arg28 : memref<!tpu.dma_semaphore, #tpu.memory_space<semaphore_mem>>)
        %add3A_236 = arith.constant 1 : i32
        %add3A_237 = arith.addi %add3A_190, %add3A_236 : i32
        %mul3A_238 = arith.constant 128 : i32
        %mul3A_239 = arith.muli %add3A_237, %mul3A_238 : i32
        %add3A_240 = arith.addi %mul3A_2, %mul3A_239 : i32
        %dma_wait3A_241 = tpu.memref_slice %arg2[%add3A_240] : memref<640000xi32, #tpu.memory_space<hbm>> -> memref<128xi32, #tpu.memory_space<hbm>>
        %dma_wait3A_242 = tpu.memref_slice %arg2[%add3A_240] : memref<640000xi32, #tpu.memory_space<hbm>> -> memref<128xi32, #tpu.memory_space<hbm>>
        tpu.wait_dma2 semaphore(%arg26 : memref<!tpu.dma_semaphore, #tpu.memory_space<semaphore_mem>>) src(%dma_wait3A_242 : memref<128xi32, #tpu.memory_space<hbm>>) dst(%arg9 : memref<128xi32, #tpu.memory_space<vmem>>)
        %dma_start3A_243 = arith.constant 0 : i32
        %dma_start3A_244 = arith.constant 0 : i32
        %dma_start3A_245 = tpu.memref_slice %arg3[%dma_start3A_243, %dma_start3A_244] : memref<10000x128xf32, #tpu.memory_space<hbm>> -> memref<10000x128xf32, #tpu.memory_space<hbm>>
        tpu.enqueue_indirect_dma source(%dma_start3A_245 : memref<10000x128xf32, #tpu.memory_space<hbm>>) target(%arg15 : memref<128x128xf32, #tpu.memory_space<vmem>>) offsets(%arg9 : memref<128xi32, #tpu.memory_space<vmem>>) semaphore(%arg20 : memref<!tpu.dma_semaphore, #tpu.memory_space<semaphore_mem>>)
      } else {
      }
    }
    %scan3A_93 = arith.constant 38 : i32
    %add3A_94 = arith.constant 9984 : i32
    %add3A_95 = arith.addi %mul3A_2, %add3A_94 : i32
    "tpu.region"() ({
      %run_scoped3A = tpu.sem_alloc : memref<!tpu.dma_semaphore, #tpu.memory_space<semaphore_mem>>
      %dma_start3A_149 = tpu.memref_slice %arg2[%add3A_95] : memref<640000xi32, #tpu.memory_space<hbm>> -> memref<16xi32, #tpu.memory_space<hbm>>
      %dma_start3A_150 = tpu.memref_slice %arg2[%add3A_95] : memref<640000xi32, #tpu.memory_space<hbm>> -> memref<16xi32, #tpu.memory_space<hbm>>
      tpu.enqueue_dma source(%dma_start3A_150 : memref<16xi32, #tpu.memory_space<hbm>>) target(%arg13 : memref<16xi32, #tpu.memory_space<vmem>>) target_semaphore(%run_scoped3A : memref<!tpu.dma_semaphore, #tpu.memory_space<semaphore_mem>>)
      %dma_wait3A_151 = tpu.memref_slice %arg2[%add3A_95] : memref<640000xi32, #tpu.memory_space<hbm>> -> memref<16xi32, #tpu.memory_space<hbm>>
      %dma_wait3A_152 = tpu.memref_slice %arg2[%add3A_95] : memref<640000xi32, #tpu.memory_space<hbm>> -> memref<16xi32, #tpu.memory_space<hbm>>
      tpu.wait_dma2 semaphore(%run_scoped3A : memref<!tpu.dma_semaphore, #tpu.memory_space<semaphore_mem>>) src(%dma_wait3A_152 : memref<16xi32, #tpu.memory_space<hbm>>) dst(%arg13 : memref<16xi32, #tpu.memory_space<vmem>>)
      tpu.yield
    }) : () -> ()
    %add3A_96 = arith.constant 320000 : i32
    %add3A_97 = arith.addi %add3A_96, %add3A_95 : i32
    "tpu.region"() ({
      %run_scoped3A = tpu.sem_alloc : memref<!tpu.dma_semaphore, #tpu.memory_space<semaphore_mem>>
      %dma_start3A_149 = tpu.memref_slice %arg2[%add3A_97] : memref<640000xi32, #tpu.memory_space<hbm>> -> memref<16xi32, #tpu.memory_space<hbm>>
      %dma_start3A_150 = tpu.memref_slice %arg2[%add3A_97] : memref<640000xi32, #tpu.memory_space<hbm>> -> memref<16xi32, #tpu.memory_space<hbm>>
      tpu.enqueue_dma source(%dma_start3A_150 : memref<16xi32, #tpu.memory_space<hbm>>) target(%arg14 : memref<16xi32, #tpu.memory_space<vmem>>) target_semaphore(%run_scoped3A : memref<!tpu.dma_semaphore, #tpu.memory_space<semaphore_mem>>)
      %dma_wait3A_151 = tpu.memref_slice %arg2[%add3A_97] : memref<640000xi32, #tpu.memory_space<hbm>> -> memref<16xi32, #tpu.memory_space<hbm>>
      %dma_wait3A_152 = tpu.memref_slice %arg2[%add3A_97] : memref<640000xi32, #tpu.memory_space<hbm>> -> memref<16xi32, #tpu.memory_space<hbm>>
      tpu.wait_dma2 semaphore(%run_scoped3A : memref<!tpu.dma_semaphore, #tpu.memory_space<semaphore_mem>>) src(%dma_wait3A_152 : memref<16xi32, #tpu.memory_space<hbm>>) dst(%arg14 : memref<16xi32, #tpu.memory_space<vmem>>)
      tpu.yield
    }) : () -> ()
    %dma_start3A_98 = arith.constant 0 : i32
    %dma_start3A_99 = arith.constant 0 : i32
    %dma_start3A_100 = tpu.memref_slice %arg15[%dma_start3A_98, %dma_start3A_99] : memref<128x128xf32, #tpu.memory_space<vmem>> -> memref<16x128xf32, #tpu.memory_space<vmem>>
    %dma_start3A_101 = arith.constant 0 : i32
    %dma_start3A_102 = arith.constant 0 : i32
    %dma_start3A_103 = tpu.memref_slice %arg3[%dma_start3A_101, %dma_start3A_102] : memref<10000x128xf32, #tpu.memory_space<hbm>> -> memref<10000x128xf32, #tpu.memory_space<hbm>>
    tpu.enqueue_indirect_dma source(%dma_start3A_103 : memref<10000x128xf32, #tpu.memory_space<hbm>>) target(%dma_start3A_100 : memref<16x128xf32, #tpu.memory_space<vmem>>) offsets(%arg13 : memref<16xi32, #tpu.memory_space<vmem>>) semaphore(%arg20 : memref<!tpu.dma_semaphore, #tpu.memory_space<semaphore_mem>>)
    %dma_wait3A_104 = arith.constant 0 : i32
    %dma_wait3A_105 = arith.constant 0 : i32
    %dma_wait3A_106 = tpu.memref_slice %arg15[%dma_wait3A_104, %dma_wait3A_105] : memref<128x128xf32, #tpu.memory_space<vmem>> -> memref<16x128xf32, #tpu.memory_space<vmem>>
    %dma_wait3A_107 = arith.constant 0 : i32
    %dma_wait3A_108 = arith.constant 0 : i32
    %dma_wait3A_109 = tpu.memref_slice %arg3[%dma_wait3A_107, %dma_wait3A_108] : memref<10000x128xf32, #tpu.memory_space<hbm>> -> memref<10000x128xf32, #tpu.memory_space<hbm>>
    tpu.wait_indirect_dma semaphore(%arg20 : memref<!tpu.dma_semaphore, #tpu.memory_space<semaphore_mem>>) src(%dma_wait3A_109 : memref<10000x128xf32, #tpu.memory_space<hbm>>) dst(%dma_wait3A_106 : memref<16x128xf32, #tpu.memory_space<vmem>>)
    %dma_start3A_110 = arith.constant 0 : i32
    %dma_start3A_111 = arith.constant 0 : i32
    %dma_start3A_112 = tpu.memref_slice %arg15[%dma_start3A_110, %dma_start3A_111] : memref<128x128xf32, #tpu.memory_space<vmem>> -> memref<16x128xf32, #tpu.memory_space<vmem>>
    %dma_start3A_113 = arith.constant 0 : i32
    %dma_start3A_114 = arith.constant 0 : i32
    %dma_start3A_115 = tpu.memref_slice %arg18[%dma_start3A_113, %dma_start3A_114] : memref<10240x128xf32, #tpu.memory_space<vmem_shared>> -> memref<10240x128xf32, #tpu.memory_space<vmem_shared>>
    tpu.enqueue_indirect_dma source(%dma_start3A_112 : memref<16x128xf32, #tpu.memory_space<vmem>>) target(%dma_start3A_115 : memref<10240x128xf32, #tpu.memory_space<vmem_shared>>) offsets(%arg14 : memref<16xi32, #tpu.memory_space<vmem>>) semaphore(%arg22 : memref<!tpu.dma_semaphore, #tpu.memory_space<semaphore_mem>>) {add = true}
    %dma_start3A_116 = arith.constant 0 : i32
    %dma_start3A_117 = arith.constant 0 : i32
    %dma_start3A_118 = tpu.memref_slice %arg17[%dma_start3A_116, %dma_start3A_117] : memref<128x16xf32, #tpu.memory_space<vmem>> -> memref<16x16xf32, #tpu.memory_space<vmem>>
    %dma_start3A_119 = arith.constant 0 : i32
    %dma_start3A_120 = arith.constant 0 : i32
    %dma_start3A_121 = tpu.memref_slice %arg19[%dma_start3A_119, %dma_start3A_120] : memref<10240x16xf32, #tpu.memory_space<vmem_shared>> -> memref<10240x16xf32, #tpu.memory_space<vmem_shared>>
    tpu.enqueue_indirect_dma source(%dma_start3A_118 : memref<16x16xf32, #tpu.memory_space<vmem>>) target(%dma_start3A_121 : memref<10240x16xf32, #tpu.memory_space<vmem_shared>>) offsets(%arg14 : memref<16xi32, #tpu.memory_space<vmem>>) semaphore(%arg24 : memref<!tpu.dma_semaphore, #tpu.memory_space<semaphore_mem>>) {add = true}
    %dma_wait3A_122 = arith.constant 0 : i32
    %dma_wait3A_123 = arith.constant 0 : i32
    %dma_wait3A_124 = tpu.memref_slice %arg15[%dma_wait3A_122, %dma_wait3A_123] : memref<128x128xf32, #tpu.memory_space<vmem>> -> memref<16x128xf32, #tpu.memory_space<vmem>>
    %dma_wait3A_125 = arith.constant 0 : i32
    %dma_wait3A_126 = arith.constant 0 : i32
    %dma_wait3A_127 = tpu.memref_slice %arg18[%dma_wait3A_125, %dma_wait3A_126] : memref<10240x128xf32, #tpu.memory_space<vmem_shared>> -> memref<10240x128xf32, #tpu.memory_space<vmem_shared>>
    tpu.wait_indirect_dma semaphore(%arg22 : memref<!tpu.dma_semaphore, #tpu.memory_space<semaphore_mem>>) src(%dma_wait3A_124 : memref<16x128xf32, #tpu.memory_space<vmem>>) dst(%dma_wait3A_127 : memref<10240x128xf32, #tpu.memory_space<vmem_shared>>)
    %dma_wait3A_128 = arith.constant 0 : i32
    %dma_wait3A_129 = arith.constant 0 : i32
    %dma_wait3A_130 = tpu.memref_slice %arg17[%dma_wait3A_128, %dma_wait3A_129] : memref<128x16xf32, #tpu.memory_space<vmem>> -> memref<16x16xf32, #tpu.memory_space<vmem>>
    %dma_wait3A_131 = arith.constant 0 : i32
    %dma_wait3A_132 = arith.constant 0 : i32
    %dma_wait3A_133 = tpu.memref_slice %arg19[%dma_wait3A_131, %dma_wait3A_132] : memref<10240x16xf32, #tpu.memory_space<vmem_shared>> -> memref<10240x16xf32, #tpu.memory_space<vmem_shared>>
    tpu.wait_indirect_dma semaphore(%arg24 : memref<!tpu.dma_semaphore, #tpu.memory_space<semaphore_mem>>) src(%dma_wait3A_130 : memref<16x16xf32, #tpu.memory_space<vmem>>) dst(%dma_wait3A_133 : memref<10240x16xf32, #tpu.memory_space<vmem_shared>>)
    %dma_wait3A_134 = arith.constant 0 : i32
    %dma_wait3A_135 = arith.constant 0 : i32
    %dma_wait3A_136 = tpu.memref_slice %arg18[%dma_wait3A_134, %dma_wait3A_135] : memref<10240x128xf32, #tpu.memory_space<vmem_shared>> -> memref<10240x128xf32, #tpu.memory_space<vmem_shared>>
    tpu.wait_indirect_dma semaphore(%arg23 : memref<!tpu.dma_semaphore, #tpu.memory_space<semaphore_mem>>) src(%arg16 : memref<128x128xf32, #tpu.memory_space<vmem>>) dst(%dma_wait3A_136 : memref<10240x128xf32, #tpu.memory_space<vmem_shared>>)
    %dma_wait3A_137 = arith.constant 0 : i32
    %dma_wait3A_138 = arith.constant 0 : i32
    %dma_wait3A_139 = tpu.memref_slice %arg19[%dma_wait3A_137, %dma_wait3A_138] : memref<10240x16xf32, #tpu.memory_space<vmem_shared>> -> memref<10240x16xf32, #tpu.memory_space<vmem_shared>>
    tpu.wait_indirect_dma semaphore(%arg25 : memref<!tpu.dma_semaphore, #tpu.memory_space<semaphore_mem>>) src(%arg17 : memref<128x16xf32, #tpu.memory_space<vmem>>) dst(%dma_wait3A_139 : memref<10240x16xf32, #tpu.memory_space<vmem_shared>>)
    %barrier3A_140 = arith.constant 0 : index
    tpu.barrier barrier_id(%barrier3A_140)
    %mul3A_141 = arith.constant 640 : i32
    %mul3A_142 = arith.muli %arg1, %mul3A_141 : i32
    %mul3A_143 = arith.constant 640 : i32
    %mul3A_144 = arith.muli %arg1, %mul3A_143 : i32
    "tpu.region"() ({
      %run_scoped3A = tpu.sem_alloc : memref<!tpu.dma_semaphore, #tpu.memory_space<semaphore_mem>>
      %dma_start3A_149 = arith.constant 0 : i32
      %dma_start3A_150 = tpu.memref_slice %arg7[%arg0, %mul3A_144, %dma_start3A_149] : memref<2x10240x128xf32, #tpu.memory_space<hbm>> -> memref<1x640x128xf32, #tpu.memory_space<hbm>>
      %dma_start3A_151 = tpu.memref_squeeze %dma_start3A_150 : memref<1x640x128xf32, #tpu.memory_space<hbm>> -> memref<640x128xf32, #tpu.memory_space<hbm>>
      %dma_start3A_152 = arith.constant 0 : i32
      %dma_start3A_153 = tpu.memref_slice %arg18[%mul3A_142, %dma_start3A_152] : memref<10240x128xf32, #tpu.memory_space<vmem_shared>> -> memref<640x128xf32, #tpu.memory_space<vmem_shared>>
      tpu.enqueue_dma source(%dma_start3A_153 : memref<640x128xf32, #tpu.memory_space<vmem_shared>>) target(%dma_start3A_151 : memref<640x128xf32, #tpu.memory_space<hbm>>) target_semaphore(%run_scoped3A : memref<!tpu.dma_semaphore, #tpu.memory_space<semaphore_mem>>)
      %dma_wait3A_154 = arith.constant 0 : i32
      %dma_wait3A_155 = tpu.memref_slice %arg7[%arg0, %mul3A_144, %dma_wait3A_154] : memref<2x10240x128xf32, #tpu.memory_space<hbm>> -> memref<1x640x128xf32, #tpu.memory_space<hbm>>
      %dma_wait3A_156 = tpu.memref_squeeze %dma_wait3A_155 : memref<1x640x128xf32, #tpu.memory_space<hbm>> -> memref<640x128xf32, #tpu.memory_space<hbm>>
      %dma_wait3A_157 = arith.constant 0 : i32
      %dma_wait3A_158 = tpu.memref_slice %arg18[%mul3A_142, %dma_wait3A_157] : memref<10240x128xf32, #tpu.memory_space<vmem_shared>> -> memref<640x128xf32, #tpu.memory_space<vmem_shared>>
      tpu.wait_dma2 semaphore(%run_scoped3A : memref<!tpu.dma_semaphore, #tpu.memory_space<semaphore_mem>>) src(%dma_wait3A_158 : memref<640x128xf32, #tpu.memory_space<vmem_shared>>) dst(%dma_wait3A_156 : memref<640x128xf32, #tpu.memory_space<hbm>>)
      tpu.yield
    }) : () -> ()
    %mul3A_145 = arith.constant 640 : i32
    %mul3A_146 = arith.muli %arg1, %mul3A_145 : i32
    %mul3A_147 = arith.constant 640 : i32
    %mul3A_148 = arith.muli %arg1, %mul3A_147 : i32
    "tpu.region"() ({
      %run_scoped3A = tpu.sem_alloc : memref<!tpu.dma_semaphore, #tpu.memory_space<semaphore_mem>>
      %dma_start3A_149 = arith.constant 0 : i32
      %dma_start3A_150 = tpu.memref_slice %arg8[%arg0, %mul3A_148, %dma_start3A_149] : memref<2x10240x16xf32, #tpu.memory_space<hbm>> -> memref<1x640x16xf32, #tpu.memory_space<hbm>>
      %dma_start3A_151 = tpu.memref_squeeze %dma_start3A_150 : memref<1x640x16xf32, #tpu.memory_space<hbm>> -> memref<640x16xf32, #tpu.memory_space<hbm>>
      %dma_start3A_152 = arith.constant 0 : i32
      %dma_start3A_153 = tpu.memref_slice %arg19[%mul3A_146, %dma_start3A_152] : memref<10240x16xf32, #tpu.memory_space<vmem_shared>> -> memref<640x16xf32, #tpu.memory_space<vmem_shared>>
      tpu.enqueue_dma source(%dma_start3A_153 : memref<640x16xf32, #tpu.memory_space<vmem_shared>>) target(%dma_start3A_151 : memref<640x16xf32, #tpu.memory_space<hbm>>) target_semaphore(%run_scoped3A : memref<!tpu.dma_semaphore, #tpu.memory_space<semaphore_mem>>)
      %dma_wait3A_154 = arith.constant 0 : i32
      %dma_wait3A_155 = tpu.memref_slice %arg8[%arg0, %mul3A_148, %dma_wait3A_154] : memref<2x10240x16xf32, #tpu.memory_space<hbm>> -> memref<1x640x16xf32, #tpu.memory_space<hbm>>
      %dma_wait3A_156 = tpu.memref_squeeze %dma_wait3A_155 : memref<1x640x16xf32, #tpu.memory_space<hbm>> -> memref<640x16xf32, #tpu.memory_space<hbm>>
      %dma_wait3A_157 = arith.constant 0 : i32
      %dma_wait3A_158 = tpu.memref_slice %arg19[%mul3A_146, %dma_wait3A_157] : memref<10240x16xf32, #tpu.memory_space<vmem_shared>> -> memref<640x16xf32, #tpu.memory_space<vmem_shared>>
      tpu.wait_dma2 semaphore(%run_scoped3A : memref<!tpu.dma_semaphore, #tpu.memory_space<semaphore_mem>>) src(%dma_wait3A_158 : memref<640x16xf32, #tpu.memory_space<vmem_shared>>) dst(%dma_wait3A_156 : memref<640x16xf32, #tpu.memory_space<hbm>>)
      tpu.yield
    }) : () -> ()
    return
  }
}

module attributes {stable_mosaic.version = 14 : i64} {
  func.func @body(%arg0: i32, %arg1: memref<1000x128xf32, #tpu.memory_space<vmem>>, %arg2: memref<128x128xf32, #tpu.memory_space<vmem>>, %arg3: memref<1000x128xf32, #tpu.memory_space<vmem>>) attributes {dimension_semantics = [#tpu.dimension_semantics<arbitrary>], iteration_bounds = array<i64: 10>, scalar_prefetch = 0 : i64, scratch_operands = 0 : i64, tpu.core_type = #tpu.core_type<tc>, window_params = [{transform_indices = @transform_0, window_bounds = array<i64: 1000, 128>}, {pipeline_mode = #tpu.pipeline_mode<synchronous>, transform_indices = @transform_1, window_bounds = array<i64: 128, 128>}, {transform_indices = @transform_2, window_bounds = array<i64: 1000, 128>}]} {
    %get3A = arith.constant 0 : index
    %get3A_0 = arith.constant 0 : index
    %get3A_1 = vector.load %arg1[%get3A, %get3A_0] : memref<1000x128xf32, #tpu.memory_space<vmem>>, vector<1000x128xf32>
    %get3A_2 = arith.constant 0 : index
    %get3A_3 = arith.constant 0 : index
    %get3A_4 = vector.load %arg2[%get3A_2, %get3A_3] : memref<128x128xf32, #tpu.memory_space<vmem>>, vector<128x128xf32>
    %dot_general3A = arith.constant dense<0.000000e+00> : vector<1000x128xf32>
    %dot_general3A_5 = tpu.matmul %get3A_1, %get3A_4, %dot_general3A {dimension_numbers = #tpu.dot_dimension_numbers<[1], [1], [0], [0], [0, 0, 1, 0], [], []>, transpose_lhs_hint = false} : vector<1000x128xf32>, vector<128x128xf32>, vector<1000x128xf32> -> vector<1000x128xf32>
    %swap3A = arith.constant 0 : index
    %swap3A_6 = arith.constant 0 : index
    %swap3A_7 = vector.load %arg3[%swap3A, %swap3A_6] : memref<1000x128xf32, #tpu.memory_space<vmem>>, vector<1000x128xf32>
    tpu.vector_store %arg3[%swap3A, %swap3A_6], %dot_general3A_5 {strides = array<i32>} : memref<1000x128xf32, #tpu.memory_space<vmem>>, vector<1000x128xf32>,
    return
  }
  func.func @transform_0(%arg0: i32) -> (i32, i32) {
    %c0_i32 = arith.constant 0 : i32
    %c0_i32_0 = arith.constant 0 : i32
    return %arg0, %c0_i32 : i32, i32
  }
  func.func @transform_1(%arg0: i32) -> (i32, i32) {
    %c0_i32 = arith.constant 0 : i32
    %c0_i32_0 = arith.constant 0 : i32
    %c0_i32_1 = arith.constant 0 : i32
    return %c0_i32, %c0_i32_0 : i32, i32
  }
  func.func @transform_2(%arg0: i32) -> (i32, i32) {
    %c0_i32 = arith.constant 0 : i32
    %c0_i32_0 = arith.constant 0 : i32
    return %arg0, %c0_i32 : i32, i32
  }
}

module attributes {stable_mosaic.version = 14 : i64} {
  func.func @body(%arg0: i32, %arg1: memref<2x1000x128xf32, #tpu.memory_space<vmem>>, %arg2: memref<2x1000x16xf32, #tpu.memory_space<vmem>>, %arg3: memref<1000x128xf32, #tpu.memory_space<vmem>>, %arg4: memref<1000x128xf32, #tpu.memory_space<vmem>>, %arg5: memref<128x128xf32, #tpu.memory_space<vmem>>, %arg6: memref<1x128xf32, #tpu.memory_space<vmem>>, %arg7: memref<1000x128xf32, #tpu.memory_space<vmem>>) attributes {dimension_semantics = [#tpu.dimension_semantics<arbitrary>], iteration_bounds = array<i64: 10>, scalar_prefetch = 0 : i64, scratch_operands = 0 : i64, tpu.core_type = #tpu.core_type<tc>, window_params = [{transform_indices = @transform_0, window_bounds = array<i64: 2, 1000, 128>}, {transform_indices = @transform_1, window_bounds = array<i64: 2, 1000, 16>}, {transform_indices = @transform_2, window_bounds = array<i64: 1000, 128>}, {transform_indices = @transform_3, window_bounds = array<i64: 1000, 128>}, {pipeline_mode = #tpu.pipeline_mode<synchronous>, transform_indices = @transform_4, window_bounds = array<i64: 128, 128>}, {pipeline_mode = #tpu.pipeline_mode<synchronous>, transform_indices = @transform_5, window_bounds = array<i64: 1, 128>}, {transform_indices = @transform_6, window_bounds = array<i64: 1000, 128>}]} {
    %get3A = arith.constant 0 : index
    %get3A_0 = arith.constant 0 : index
    %get3A_1 = arith.constant 0 : index
    %get3A_2 = vector.load %arg1[%get3A, %get3A_0, %get3A_1] : memref<2x1000x128xf32, #tpu.memory_space<vmem>>, vector<1x1000x128xf32>
    %get3A_3 = vector.shape_cast %get3A_2 : vector<1x1000x128xf32> to vector<1000x128xf32>
    %get3A_4 = arith.constant 1 : index
    %get3A_5 = arith.constant 0 : index
    %get3A_6 = arith.constant 0 : index
    %get3A_7 = vector.load %arg1[%get3A_4, %get3A_5, %get3A_6] : memref<2x1000x128xf32, #tpu.memory_space<vmem>>, vector<1x1000x128xf32>
    %get3A_8 = vector.shape_cast %get3A_7 : vector<1x1000x128xf32> to vector<1000x128xf32>
    %add3A = arith.addf %get3A_3, %get3A_8 : vector<1000x128xf32>
    %get3A_9 = arith.constant 0 : index
    %get3A_10 = arith.constant 0 : index
    %get3A_11 = arith.constant 0 : index
    %get3A_12 = vector.load %arg2[%get3A_9, %get3A_10, %get3A_11] : memref<2x1000x16xf32, #tpu.memory_space<vmem>>, vector<1x1000x1xf32>
    %get3A_13 = vector.shape_cast %get3A_12 : vector<1x1000x1xf32> to vector<1000x1xf32>
    %get3A_14 = arith.constant 1 : index
    %get3A_15 = arith.constant 0 : index
    %get3A_16 = arith.constant 0 : index
    %get3A_17 = vector.load %arg2[%get3A_14, %get3A_15, %get3A_16] : memref<2x1000x16xf32, #tpu.memory_space<vmem>>, vector<1x1000x1xf32>
    %get3A_18 = vector.shape_cast %get3A_17 : vector<1x1000x1xf32> to vector<1000x1xf32>
    %add3A_19 = arith.addf %get3A_13, %get3A_18 : vector<1000x1xf32>
    %max3A = arith.constant 1.000000e+00 : f32
    %max3A_20 = vector.broadcast %max3A : f32 to vector<1000x1xf32>
    %max3A_21 = arith.maximumf %add3A_19, %max3A_20 : vector<1000x1xf32>
    %div3A = vector.broadcast %max3A_21 : vector<1000x1xf32> to vector<1000x128xf32>
    %div3A_22 = arith.divf %add3A, %div3A : vector<1000x128xf32>
    %get3A_23 = arith.constant 0 : index
    %get3A_24 = arith.constant 0 : index
    %get3A_25 = vector.load %arg3[%get3A_23, %get3A_24] : memref<1000x128xf32, #tpu.memory_space<vmem>>, vector<1000x128xf32>
    %get3A_26 = arith.constant 0 : index
    %get3A_27 = arith.constant 0 : index
    %get3A_28 = vector.load %arg5[%get3A_26, %get3A_27] : memref<128x128xf32, #tpu.memory_space<vmem>>, vector<128x128xf32>
    %dot_general3A = arith.constant dense<0.000000e+00> : vector<1000x128xf32>
    %dot_general3A_29 = tpu.matmul %div3A_22, %get3A_28, %dot_general3A {dimension_numbers = #tpu.dot_dimension_numbers<[1], [1], [0], [0], [0, 0, 1, 0], [], []>, transpose_lhs_hint = false} : vector<1000x128xf32>, vector<128x128xf32>, vector<1000x128xf32> -> vector<1000x128xf32>
    %get3A_30 = arith.constant 0 : index
    %get3A_31 = arith.constant 0 : index
    %get3A_32 = vector.load %arg6[%get3A_30, %get3A_31] : memref<1x128xf32, #tpu.memory_space<vmem>>, vector<1x128xf32>
    %add3A_33 = vector.broadcast %get3A_32 : vector<1x128xf32> to vector<1000x128xf32>
    %add3A_34 = arith.addf %dot_general3A_29, %add3A_33 : vector<1000x128xf32>
    %get3A_35 = arith.constant 0 : index
    %get3A_36 = arith.constant 0 : index
    %get3A_37 = vector.load %arg4[%get3A_35, %get3A_36] : memref<1000x128xf32, #tpu.memory_space<vmem>>, vector<1000x128xf32>
    %add3A_38 = arith.addf %add3A_34, %get3A_37 : vector<1000x128xf32>
    %max3A_39 = arith.constant 0.000000e+00 : f32
    %max3A_40 = vector.broadcast %max3A_39 : f32 to vector<1000x128xf32>
    %max3A_41 = arith.maximumf %add3A_38, %max3A_40 : vector<1000x128xf32>
    %add3A_42 = arith.addf %get3A_25, %max3A_41 : vector<1000x128xf32>
    %swap3A = arith.constant 0 : index
    %swap3A_43 = arith.constant 0 : index
    %swap3A_44 = vector.load %arg7[%swap3A, %swap3A_43] : memref<1000x128xf32, #tpu.memory_space<vmem>>, vector<1000x128xf32>
    tpu.vector_store %arg7[%swap3A, %swap3A_43], %add3A_42 {strides = array<i32>} : memref<1000x128xf32, #tpu.memory_space<vmem>>, vector<1000x128xf32>,
    return
  }
  func.func @transform_0(%arg0: i32) -> (i32, i32, i32) {
    %c0_i32 = arith.constant 0 : i32
    %c0_i32_0 = arith.constant 0 : i32
    %c0_i32_1 = arith.constant 0 : i32
    return %c0_i32, %arg0, %c0_i32_0 : i32, i32, i32
  }
  func.func @transform_1(%arg0: i32) -> (i32, i32, i32) {
    %c0_i32 = arith.constant 0 : i32
    %c0_i32_0 = arith.constant 0 : i32
    %c0_i32_1 = arith.constant 0 : i32
    return %c0_i32, %arg0, %c0_i32_0 : i32, i32, i32
  }
  func.func @transform_2(%arg0: i32) -> (i32, i32) {
    %c0_i32 = arith.constant 0 : i32
    %c0_i32_0 = arith.constant 0 : i32
    return %arg0, %c0_i32 : i32, i32
  }
  func.func @transform_3(%arg0: i32) -> (i32, i32) {
    %c0_i32 = arith.constant 0 : i32
    %c0_i32_0 = arith.constant 0 : i32
    return %arg0, %c0_i32 : i32, i32
  }
  func.func @transform_4(%arg0: i32) -> (i32, i32) {
    %c0_i32 = arith.constant 0 : i32
    %c0_i32_0 = arith.constant 0 : i32
    %c0_i32_1 = arith.constant 0 : i32
    return %c0_i32, %c0_i32_0 : i32, i32
  }
  func.func @transform_5(%arg0: i32) -> (i32, i32) {
    %c0_i32 = arith.constant 0 : i32
    %c0_i32_0 = arith.constant 0 : i32
    %c0_i32_1 = arith.constant 0 : i32
    return %c0_i32, %c0_i32_0 : i32, i32
  }
  func.func @transform_6(%arg0: i32) -> (i32, i32) {
    %c0_i32 = arith.constant 0 : i32
    %c0_i32_0 = arith.constant 0 : i32
    return %arg0, %c0_i32 : i32, i32
  }
}

</mosaic_0001>

<sc_bundles>
// kernel: kernel.5.cloned.1.call-start
scs
__scs_entry_jumppad:
0x0: {  	(pc) =	sbr.rel $0x88, $3  }
0x1: {  	(tag) =	ssettag $0x0;
	lr =	simm.s32 $0x1  }
0x2: {  	[smem:$0x3F9C] =	sst lr;
	_ =	strace $0xD0000000  }
0x3: {  	_ = 	snop  }
0x4: {  	_ = 	snop  }
0x5: {  	_ = 	snop  }
0x6: {  	_ = 	snop  }
0x7: {  	_ = 	snop  }
__scs_overlays_trampoline_lowered:
0x8: {  	[smem:$0x3FAB] =	sst s0  }
0x9: {  	[smem:$0x3FAC] =	sst s1  }
0xa: {  	[smem:$0x3FAD] =	sst s2  }
0xb: {  	[smem:$0x3FAE] =	sst s3  }
0xc: {  	[smem:$0x3FAF] =	sst s4  }
0xd: {  	[smem:$0x3FB0] =	sst s5  }
0xe: {  	[smem:$0x3FB1] =	sst s6  }
0xf: {  	[smem:$0x3FB2] =	sst s7  }
0x10: {  	[smem:$0x3FB3] =	sst s8  }
0x11: {  	[smem:$0x3FB4] =	sst s9;
	s0 =	simm.s32 @!p0 $0x0  }
0x12: {  	s1 =	sld [smem:$0x3F9A];
	s0 =	simm.s32 @p0 $0x1  }
0x13: {  	[smem:$0x3FB5] =	sst s0;
	s0 =	simm.s32 @!p1 $0x0  }
0x14: {  	s2 =	sld [smem:$0x3F99];
	s0 =	simm.s32 @p1 $0x1  }
0x15: {  	[smem:$0x3FB6] =	sst s0;
	s0 =	simm.s32 @!p2 $0x0  }
0x16: {  	s3 =	sld [smem:$0x3FDB];
	s0 =	simm.s32 @p2 $0x1  }
0x17: {  	s4 =	simm.s32 $0x1BF5;
	[smem:$0x3FB8] =	sst s0  }
0x18: {  	s0 =	sld [smem:$0x3F9B];
	_ =	swait.ge [sflag:s4], $0x0  }
0x19: {  	s7 =	sld [smem:$0x3F9C]  }
0x1a: {  	s8 =	sadd.s32 $0xFFFFE003, lr  }
0x1b: {  	s9 =	sadd.s32 $0xFFFFFEF7, lr;
	s5 =	simm.s32 $0xFFFFFFFF;
	p2 =	slt.u32 s8, $0xFFFFF086  }
0x1c: {  	p1 =	slt.u32 s9, $0xF7A;
	s5 =	simm.s32 @!p2 $0x0  }
0x1d: {  	s5 =	simm.s32 @p1 $0x1;
	p0 =	seq.s32 s7, s2  }
0x1e: {  	s7 =	smul.u32 @!p0 $0xF7A, s2;
	p2 =	seq.s32 @!p0 s5, $0x0  }
0x1f: {  	s9 =	smul.u32 $0xF7A, s1;
	s8 =	simm.s32 @!p0 $0x1BF5;
	p2 =	por !p2, p0  }
0x20: {  	[sflag:s8] =	ssyncset.s32 @!p0 $0xFFFFF086;
	s6 =	sadd.s32 @!p0 s3, s7;
	s7 =	simm.s32 @!p0 $0x108  }
0x21: {  	s3 =	sadd.s32 s3, s9;
	s6 =	sadd.s32 @!p0 $0x88, s6;
	s7 =	simm.s32 @p2 $0x1082  }
0x22: {  	[simem:s7], [sflag:s8] =	dma.local @!p0 [hbm:s6], $0xF7A  }
0x23: {  	s9 =	sor.u32 $0xD0000000, s2;
	s6 =	simm.s32 $0x108;
	_ =	swait.ge @!p0 [sflag:s8], $0x0  }
0x24: {  	s3 =	sadd.s32 $0x88, s3;
	s6 =	simm.s32 @!p1 $0x1082;
	[sflag:s4] =	ssyncset.s32 $0xFFFFF086  }
0x25: {  	[simem:s6], [sflag:s4] =	dma.local [hbm:s3], $0xF7A  }
0x26: {  	[smem:$0x3F9C] =	sst s1;
	(tag) =	ssettag s2;
	_ =	strace s9  }
0x27: {  	s1 =	sld [smem:$0x3FAC]  }
0x28: {  	s2 =	sld [smem:$0x3FAD]  }
0x29: {  	s4 =	sld [smem:$0x3FAF]  }
0x2a: {  	p0 =	seq.s32 s5, $0x0;
	s5 =	sld [smem:$0x3FB0]  }
0x2b: {  	s6 =	sld [smem:$0x3FB1]  }
0x2c: {  	s7 =	sld [smem:$0x3FB2]  }
0x2d: {  	s3 =	simm.s32 $0x108;
	s8 =	sld [smem:$0x3FB3]  }
0x2e: {  	s3 =	simm.s32 @!p0 $0x1082;
	s9 =	sld [smem:$0x3FB4]  }
0x2f: {  	lr =	sadd.s32 s0, s3;
	s0 =	sld [smem:$0x3FAB]  }
0x30: {  	s3 =	sld [smem:$0x3FAE]  }
0x31: {  	[smem:$0x3FB7] =	sst s10  }
0x32: {  	s10 =	sld [smem:$0x3FB5];
	_ =	sdelay $0x3  }
0x33: {  	p0 =	seq.s32 s10, $0x1;
	s10 =	sld [smem:$0x3FB7];
	_ =	sdelay $0x3  }
0x34: {  	[smem:$0x3FB7] =	sst s10  }
0x35: {  	s10 =	sld [smem:$0x3FB6];
	_ =	sdelay $0x3  }
0x36: {  	p1 =	seq.s32 s10, $0x1;
	s10 =	sld [smem:$0x3FB7];
	_ =	sdelay $0x3  }
0x37: {  	[smem:$0x3FB7] =	sst s10  }
0x38: {  	s10 =	sld [smem:$0x3FB8]  }
0x39: {  	_ = 	snop;
	(pc) =	sbr.ind lr, $3  }
0x3a: {  	_ = 	snop  }
0x3b: {  	_ = 	snop  }
0x3c: {  	p2 =	seq.s32 s10, $0x1;
	s10 =	sld [smem:$0x3FB7]  }
0x3d: {  	_ =	shalt  }
0x3e: {  	_ =	shalt  }
0x3f: {  	_ =	shalt  }
0x40: {  	_ =	shalt  }
0x41: {  	_ =	shalt  }
0x42: {  	_ =	shalt  }
0x43: {  	_ =	shalt  }
0x44: {  	_ =	shalt  }
0x45: {  	_ =	shalt  }
0x46: {  	_ =	shalt  }
0x47: {  	_ =	shalt  }
0x48: {  	_ =	shalt  }
0x49: {  	_ =	shalt  }
0x4a: {  	_ =	shalt  }
0x4b: {  	_ =	shalt  }
0x4c: {  	_ =	shalt  }
0x4d: {  	_ =	shalt  }
0x4e: {  	_ =	shalt  }
0x4f: {  	_ =	shalt  }
0x50: {  	_ =	shalt  }
0x51: {  	_ =	shalt  }
0x52: {  	_ =	shalt  }
0x53: {  	_ =	shalt  }
0x54: {  	_ =	shalt  }
0x55: {  	_ =	shalt  }
0x56: {  	_ =	shalt  }
0x57: {  	_ =	shalt  }
0x58: {  	_ =	shalt  }
0x59: {  	_ =	shalt  }
0x5a: {  	_ =	shalt  }
0x5b: {  	_ =	shalt  }
0x5c: {  	_ =	shalt  }
0x5d: {  	_ =	shalt  }
0x5e: {  	_ =	shalt  }
0x5f: {  	_ =	shalt  }
0x60: {  	_ =	shalt  }
0x61: {  	_ =	shalt  }
0x62: {  	_ =	shalt  }
0x63: {  	_ =	shalt  }
0x64: {  	_ =	shalt  }
0x65: {  	_ =	shalt  }
0x66: {  	_ =	shalt  }
0x67: {  	_ =	shalt  }
0x68: {  	_ =	shalt  }
0x69: {  	_ =	shalt  }
0x6a: {  	_ =	shalt  }
0x6b: {  	_ =	shalt  }
0x6c: {  	_ =	shalt  }
0x6d: {  	_ =	shalt  }
0x6e: {  	_ =	shalt  }
0x6f: {  	_ =	shalt  }
0x70: {  	_ =	shalt  }
0x71: {  	_ =	shalt  }
0x72: {  	_ =	shalt  }
0x73: {  	_ =	shalt  }
0x74: {  	_ =	shalt  }
0x75: {  	_ =	shalt  }
0x76: {  	_ =	shalt  }
0x77: {  	_ =	shalt  }
0x78: {  	_ =	shalt  }
0x79: {  	_ =	shalt  }
0x7a: {  	_ =	shalt  }
0x7b: {  	_ =	shalt  }
0x7c: {  	_ =	shalt  }
0x7d: {  	_ =	shalt  }
0x7e: {  	_ =	shalt  }
0x7f: {  	_ =	shalt  }
0x80: {  	_ =	shalt  }
0x81: {  	_ =	shalt  }
0x82: {  	_ =	shalt  }
0x83: {  	_ =	shalt  }
0x84: {  	_ =	shalt  }
0x85: {  	_ =	shalt  }
0x86: {  	_ =	shalt  }
0x87: {  	_ =	shalt  }
.Lfunc_end0:
.L_simem_size_0:
called_computation_lowered:
.L_overlay_start_0:
0x88: {  	s2 =	sld [smem:$0x3FD9]  }
0x89: {  	s3 =	sld [smem:$0x3FFE];
	_ =	sdelay $0x1  }
0x8a: {  	s1 =	srdreg.scid  }
0x8b: {  	s0 =	sand.u32 $0x1, s1  }
0x8c: {  	s17 =	sshll.u32 s0, $0xA;
	s2 =	sadd.s32 s3, s2  }
0x8d: {  	s2 =	sadd.s32 s2, s17  }
0x8e: {  	[smem:$0x3FC3] =	sst s2  }
0x8f: {  	_ = 	snop  }
0x90: {  	s2 =	sld [smem:$0x3FC9]  }
0x91: {  	s18 =	sld [smem:$0x3FD0];
	(tm) =	ssettm $0x1  }
0x92: {  	s4 =	sld [smem:$0x3FFB];
	_ =	sdelay $0x3  }
0x93: {  	_ =	strace s4  }
0x94: {  	s4 =	sld [smem:$0x3FFC];
	_ =	sdelay $0x3  }
0x95: {  	_ =	strace s4  }
0x96: {  	s4 =	sld [smem:$0x3FFD];
	_ =	sdelay $0x3  }
0x97: {  	_ =	strace s4  }
0x98: {  	_ =	strace $0x8FFFFFFF  }
0x99: {  	s19 =	sld [smem:$0x3FDB];
	_ =	sdelay $0x1  }
0x9a: {  	s5 =	simm.s32 $_scs_section_size  }
0x9b: {  	s6 =	simm.s32 $_size__tile_overlayer_lowered;
	s7 =	simm.s32 $_tile_overlayer_lowered  }
0x9c: {  	s22 =	simm.s32 $0x1BFF;
	s21 =	sshll.u32 s7, $0x1;
	s4 =	sadd.s32 s5, s19  }
0x9d: {  	s8 =	simm.s32 $0x0;
	s20 =	sshll.u32 s6, $0x1;
	s6 =	sadd.s32 s21, s4  }
0x9e: {  	[timem:s8], [sflag:s22] =	dma.local [hbm:s6], s20  }
0x9f: {  	_ =	swait.ge [sflag:s22], s20  }
0xa0: {  	s5 =	ssub.s32 $0x0, s20;
	[sflag:s22] =	ssyncset.done $0x0  }
0xa1: {  	[sflag:s22] =	ssyncadd.s32 s5;
	_ =	sdelay $0x1  }
0xa2: {  	s23 =	simm.s32 $0x1B8B  }
0xa3: {  	_ =	swait.ge [sflag:s23], $0x1  }
0xa4: {  	[sflag:s23] =	ssyncset.done $0x0  }
0xa5: {  	s25 =	simm.s32 $0x1B8E;
	s24 =	sld [smem:$0x3FFE];
	[sflag:s23] =	ssyncadd.s32 $0xFFFFFFFF  }
0xa6: {  	s26 =	simm.s32 $execute0_lowered;
	[smem:$0x3FD2] =	sst s25  }
0xa7: {  	s6 =	sshll.u32 s26, $0x1;
	_ =	strace $0x80000046;
	[dreg:$0x1] =	wrdreg $0xFFFFFFFF  }
0xa8: {  	s28 =	simm.s32 $_size_execute0_lowered;
	s4 =	sadd.s32 s4, s6;
	[dreg:$0x0] =	wrdreg $0x0  }
0xa9: {  	s6 =	sshll.u32 s28, $0x1;
	[dreg:$0x2] =	wrdreg s4  }
0xaa: {  	[dreg:$0x3] =	wrdreg s6  }
0xab: {  	[dreg:$0x4] =	wrdreg $0xC0  }
0xac: {  	_ =	task [dreg:s8], $0x5FFFF  }
0xad: {  	[dreg:$0x1] =	wrdreg $0xFFFFFFFF  }
0xae: {  	[dreg:$0x0] =	wrdreg $0x60  }
0xaf: {  	[dreg:$0x2] =	wrdreg s18  }
0xb0: {  	[dreg:$0x3] =	wrdreg s2  }
0xb1: {  	[dreg:$0x4] =	wrdreg s24  }
0xb2: {  	[dreg:$0x5] =	wrdreg $0x8A200  }
0xb3: {  	[dreg:$0x6] =	wrdreg $0x1CA200  }
0xb4: {  	[dreg:$0x7] =	wrdreg $0x9  }
0xb5: {  	_ =	task.clear_ibuf [dreg:s8], $0x8FFFF;
	_ =	strace $0x90000046  }
0xb6: {  	s29 =	simm.s32 $0x9;
	_ =	strace $0x80000048  }
0xb7: {  	_ =	swait.ge [sflag:s29], $0x1  }
0xb8: {  	[sflag:s29] =	ssyncadd.s32 $0xFFFFFFFF  }
0xb9: {  	_ =	strace $0x90000048  }
0xba: {  	_ =	sfence  }
0xbb: {  	s30 =	sld [smem:$0x0];
	_ =	sdelay $0x2  }
0xbc: {  	s31 =	sshll.u32 s1, $0xD;
	s1 =	sshrl.u32 s1, $0x2  }
0xbd: {  	s3 =	sand.u32 $0x4000, s31;
	s1 =	sadd.s32 s1, s30  }
0xbe: {  	s0 =	sor.u32 s3, s0;
	s1 =	sshll.u32 s1, $0x11  }
0xbf: {  	s0 =	sor.u32 s1, s0  }
0xc0: {  	s0 =	sadd.s32 $0x8F2B, s0  }
0xc1: {  	[sflag:s0] =	ssyncadd.remote.s32 $0x1  }
0xc2: {  	_ =	sfence.sel $0xFFFF  }
0xc3: {  	[dreg:$0x0] =	wrdreg $0xFFFFFFFF;
	(pc) =	sbr.abs _section_cstart, $3  }
0xc4: {  	[dreg:$0x1] =	wrdreg $0xFFFFFFFF  }
0xc5: {  	_ =	task.clear_ibuf [dreg:s8], $0x2FFFF;
	_ =	strace $0x9FFFFFFF  }
0xc6: {  	(tm) =	ssettm $0x7FFFFFFF  }
0xc7: {  	_ =	shalt  }
tec
execute0_lowered:
.L_overlay_start_1:
0x0: {  	(tag) =	ssettag $0x1  }
0x1: {  	s0 =	rddreg [dreg:$0x0]  }
0x2: {  	s1 =	rddreg [dreg:$0x1]  }
0x3: {  	s2 =	rddreg [dreg:$0x2]  }
0x4: {  	s3 =	rddreg [dreg:$0x3]  }
0x5: {  	s5 =	srdreg.scid;
	s12 =	stileid.u32  }
0x6: {  	s4 =	rddreg [dreg:$0x4];
	s28 =	simm.s32 $0xB;
	s29 =	simm.s32 $0x80  }
0x7: {  	s30 =	simm.s32 $0x220;
	s31 =	simm.s32 $0x100;
	s7 =	smul.u32 $0x14000, s12  }
0x8: {  	s6 =	sand.u32 $0x1, s5;
	s5 =	simm.s32 $0x0;
	s9 =	smul.u32 $0x2800, s12  }
0x9: {  	s11 =	sadd.s32 $0x1800, s2;
	s21 =	sadd.s32 $0x2000, s2;
	s22 =	sshll.u32 s12, $0x1  }
0xa: {  	s13 =	sadd.s32 $0x1A00, s2;
	s12 =	smul.u32 $0x4E20, s12;
	[smem:$0x7FF] =	sst s5  }
0xb: {  	s8 =	smul.u32 $0x140000, s6;
	_ =	strace $0x80000047;
	[dreg:$0x6] =	wrdreg s11  }
0xc: {  	s10 =	smul.u32 $0x28000, s6;
	s23 =	ssub.s32 $0x2, s6;
	[dreg:$0x7] =	wrdreg s21  }
0xd: {  	s11 =	sor.u32 s6, s22;
	[dreg:$0x8] =	wrdreg s13;
	s24 =	sshrl.u32 s23, $0x1  }
0xe: {  	s6 =	smul.u32 $0x2710, s6;
	s14 =	sadd.s32 s9, s4;
	s13 =	simm.s32 $0x3  }
0xf: {  	s8 =	sadd.s32 s7, s8;
	s10 =	sadd.s32 s9, s10;
	s11 =	smul.u32 $0x2710, s11  }
0x10: {  	s7 =	sadd.s32 s7, s3;
	[dreg:$0xd] =	wrdreg s14;
	s14 =	simm.s32 $0x5  }
0x11: {  	s8 =	sshrl.u32 s8, $0x3;
	s10 =	sshrl.u32 s10, $0x3;
	[dreg:$0xc] =	wrdreg s7  }
0x12: {  	s6 =	sadd.s32 s6, s12;
	s12 =	simm.s32 $0xA;
	s8 =	sadd.s32 s8, s2  }
0x13: {  	s2 =	sadd.s32 s10, s2;
	s11 =	sshrl.u32 s11, $0x3;
	s10 =	ssub.s32 s23, s24  }
0x14: {  	s17 =	sadd.s32 $0x4E400, s6;
	s20 =	sadd.s32 $0x200, s6;
	s21 =	sadd.s32 $0x280, s6  }
0x15: {  	s6 =	sadd.s32 $0x4E380, s6;
	s11 =	sadd.s32 s0, s11;
	s23 =	sadd.s32 $0xE800, s8  }
0x16: {  	s7 =	sshrl.u32 s17, $0x3;
	s24 =	sadd.s32 $0x4800, s2;
	[dreg:$0x13] =	wrdreg s23  }
0x17: {  	s9 =	sshrl.u32 s21, $0x3;
	s6 =	sshrl.u32 s6, $0x3;
	[dreg:$0x14] =	wrdreg s24  }
0x18: {  	s2 =	simm.s32 $0x8220;
	s25 =	sadd.s32 $0x9C40, s11;
	[dreg:$0x9] =	wrdreg s11  }
0x19: {  	s8 =	simm.s32 $0x8;
	s26 =	sadd.s32 $0x10, s11;
	[dreg:$0xa] =	wrdreg s25  }
0x1a: {  	s17 =	simm.s32 $0x6;
	s15 =	sadd.s32 $0x9C50, s11;
	[dreg:$0xb] =	wrdreg s26  }
0x1b: {  	s16 =	sadd.s32 $0x20, s11;
	s18 =	sadd.s32 $0x30, s11;
	[dreg:$0xe] =	wrdreg s15  }
0x1c: {  	s19 =	sadd.s32 $0x9C60, s11;
	s21 =	sadd.s32 s6, s0;
	[dreg:$0xf] =	wrdreg s16  }
0x1d: {  	s22 =	sadd.s32 $0x4E0, s11;
	s6 =	simm.s32 $0x9;
	[dreg:$0x10] =	wrdreg s18  }
0x1e: {  	[dreg:$0x11] =	wrdreg s19;
	s18 =	sadd.s32 s7, s0;
	s7 =	sshrl.u32 s20, $0x3  }
.Ltmp0:
0x1f: {  	s20 =	sadd.s32 s9, s0;
	[dreg:$0x12] =	wrdreg s22;
	(pc) =	sbr.rel .LBB2_1-.Ltmp0, $4  }
0x20: {  	s25 =	smax.u32 s10, $0x1;
	s26 =	sadd.s32 $0xA120, s11;
	s10 =	simm.s32 $0x4220  }
0x21: {  	s11 =	simm.s32 $0x2;
	s15 =	simm.s32 $0x7;
	[dreg:$0x15] =	wrdreg s25  }
0x22: {  	s16 =	simm.s32 $0x4;
	s19 =	sadd.s32 s7, s0;
	[dreg:$0x16] =	wrdreg s26  }
0x23: {  	s0 =	simm.s32 $0x1;
	s7 =	simm.s32 $0x180;
	s25 =	simm.s32 $0x0  }
.LBB2_4:
0x24: {  	s9 =	rddreg [dreg:$0x12];
	s22 =	simm.s32 $0x200  }
0x25: {  	[tilespmem:s22], [sflag:$0xB] =	stream.linear.gather [hbm4b:s9+s5], $0x10, $0x38;
	[tilespmem:$0x1F220] =	vst v63  }
0x26: {  	_ =	swait.ge [sflag:s28], $0x10  }
0x27: {  	[sflag:s28] =	ssyncset.done $0x0  }
0x28: {  	s23 =	simm.s32 $0x210;
	s24 =	rddreg [dreg:$0x16];
	[sflag:s28] =	ssyncadd.s32 $0xFFFFFFF0  }
0x29: {  	[tilespmem:s23], [sflag:$0xB] =	stream.linear.gather [hbm4b:s24+s5], $0x10, $0x38;
	[tilespmem:$0x1F220] =	vst v63  }
0x2a: {  	_ =	swait.ge [sflag:s28], $0x10  }
0x2b: {  	[sflag:s28] =	ssyncset.done $0x0  }
0x2c: {  	s24 =	simm.s32 $0x10;
	[sflag:s28] =	ssyncadd.s32 $0xFFFFFFF0  }
0x2d: {  	[tilespmem:s30], [sflag:$0x1] =	stream.indirect.gather [hbm4b:s1+s24], $0x80, s22, s24, $0xb8;
	[tilespmem:$0x1F220] =	vst v63  }
0x2e: {  	_ =	swait.ge [sflag:s0], $0x800  }
0x2f: {  	[sflag:s0] =	ssyncset.done $0x0  }
0x30: {  	[sflag:s0] =	ssyncadd.s32 $0xFFFFF800  }
0x31: {  	[spmem:s3] =	stream.indirect.scatter.add.f32 [tilespmem:s30], [sflag:$0x3], $0x80, s23, s24, $0xb8;
	[tilespmem:$0x1F220] =	vst v63  }
0x32: {  	_ = 	snop  }
0x33: {  	[spmem:s4] =	stream.indirect.scatter.add.f32 [tilespmem:s2], [sflag:$0x5], $0x10, s23, s24, $0xb8;
	[tilespmem:$0x1F220] =	vst v63  }
0x34: {  	_ =	swait.ge [sflag:s13], $0x800  }
0x35: {  	[sflag:s13] =	ssyncset.done $0x0  }
0x36: {  	[sflag:s13] =	ssyncadd.s32 $0xFFFFF800  }
0x37: {  	_ =	swait.ge [sflag:s14], $0x100  }
0x38: {  	[sflag:s14] =	ssyncset.done $0x0  }
0x39: {  	[sflag:s14] =	ssyncadd.s32 $0xFFFFFF00  }
0x3a: {  	_ =	swait.ge [sflag:s16], $0x4000  }
0x3b: {  	[sflag:s16] =	ssyncset.done $0x0  }
0x3c: {  	[sflag:s16] =	ssyncadd.s32 $0xFFFFC000  }
0x3d: {  	_ =	swait.ge [sflag:s17], $0x800  }
0x3e: {  	[sflag:s17] =	ssyncset.done $0x0  }
0x3f: {  	[sflag:s17] =	ssyncadd.s32 $0xFFFFF800  }
0x40: {  	[bflag:$0x0] =	sbarrier.arrive $0xFFFF  }
0x41: {  	s23 =	rddreg [dreg:$0x13]  }
0x42: {  	s24 =	rddreg [dreg:$0x17]  }
0x43: {  	[hbm:s23], [sflag:s26] =	dma.local [spmem:s24], $0x2800  }
0x44: {  	_ =	swait.ge [sflag:s28], $0x2800  }
0x45: {  	[sflag:s28] =	ssyncset.done $0x0;
	s23 =	rddreg [dreg:$0x14]  }
0x46: {  	s24 =	rddreg [dreg:$0x18];
	[sflag:s28] =	ssyncadd.s32 $0xFFFFD800  }
0x47: {  	[hbm:s23], [sflag:s26] =	dma.local [spmem:s24], $0x500  }
0x48: {  	_ =	swait.ge [sflag:s28], $0x500  }
0x49: {  	s25 =	sadd.s32 $0x1, s25;
	s26 =	rddreg [dreg:$0x15]  }
0x4a: {  	p0 =	sne.s32 s25, s26  }
.Ltmp1:
0x4b: {  	_ = 	snop;
	(pc) =	sbr.rel @!p0 .LBB2_5-.Ltmp1, $3  }
0x4c: {  	_ =	sdelay $0x1  }
0x4d: {  	[sflag:s28] =	ssyncset.done $0x0  }
0x4e: {  	[sflag:s28] =	ssyncadd.s32 $0xFFFFFB00  }
.LBB2_1:
0x4f: {  	s9 =	rddreg [dreg:$0x9]  }
0x50: {  	[tilespmem:s5], [sflag:$0xB] =	stream.linear.gather [hbm4b:s9+s5], $0x80, $0x38;
	[tilespmem:$0x1F220] =	vst v63  }
0x51: {  	_ =	swait.ge [sflag:s28], $0x80  }
0x52: {  	[sflag:s28] =	ssyncset.done $0x0  }
0x53: {  	[sflag:s28] =	ssyncadd.s32 $0xFFFFFF80  }
0x54: {  	[tilespmem:s30], [sflag:$0x1] =	stream.indirect.gather [hbm4b:s1+s29], $0x80, s5, s29, $0xb8;
	[tilespmem:$0x1F220] =	vst v63  }
0x55: {  	s22 =	rddreg [dreg:$0xa]  }
0x56: {  	[tilespmem:s31], [sflag:$0x9] =	stream.linear.gather [hbm4b:s22+s5], $0x80, $0x38;
	[tilespmem:$0x1F220] =	vst v63  }
0x57: {  	s23 =	rddreg [dreg:$0xb]  }
0x58: {  	[tilespmem:s29], [sflag:$0x8] =	stream.linear.gather [hbm4b:s23+s5], $0x80, $0x38;
	[tilespmem:$0x1F220] =	vst v63  }
0x59: {  	s24 =	rddreg [dreg:$0x6]  }
0x5a: {  	[tilespmem:s2], [sflag:$0xB] =	stream.linear.gather [hbm4b:s24+s5], $0x800, $0x38;
	[tilespmem:$0x1F220] =	vst v63  }
0x5b: {  	s26 =	stileid.u32;
	_ =	swait.ge [sflag:s28], $0x800  }
0x5c: {  	s9 =	sshll.u32 s26, $0x6;
	s22 =	rddreg [dreg:$0xc]  }
0x5d: {  	[sflag:s28] =	ssyncset.done $0x0;
	s23 =	rddreg [dreg:$0x7];
	s22 =	sshrl.u32 s22, $0x3  }
0x5e: {  	s26 =	sor.u32 $0x1C0B, s9;
	[sflag:s28] =	ssyncadd.s32 $0xFFFFF800;
	[dreg:$0x17] =	wrdreg s22  }
0x5f: {  	[spmem:s22], [sflag:s26] =	dma.local [hbm:s23], $0x2800  }
0x60: {  	_ =	swait.ge [sflag:s28], $0x2800  }
0x61: {  	s24 =	rddreg [dreg:$0xd]  }
0x62: {  	[sflag:s28] =	ssyncset.done $0x0;
	s23 =	rddreg [dreg:$0x8];
	s9 =	sshrl.u32 s24, $0x3  }
0x63: {  	[sflag:s28] =	ssyncadd.s32 $0xFFFFD800;
	[dreg:$0x18] =	wrdreg s9  }
0x64: {  	[spmem:s9], [sflag:s26] =	dma.local [hbm:s23], $0x500  }
0x65: {  	_ =	swait.ge [sflag:s28], $0x500  }
0x66: {  	[sflag:s28] =	ssyncset.done $0x0  }
0x67: {  	[sflag:s28] =	ssyncadd.s32 $0xFFFFFB00  }
0x68: {  	[bflag:$0x0] =	sbarrier.arrive $0xFFFF  }
0x69: {  	_ =	swait.ge [sflag:s0], $0x4000  }
0x6a: {  	[sflag:s0] =	ssyncset.done $0x0  }
0x6b: {  	[sflag:s0] =	ssyncadd.s32 $0xFFFFC000  }
0x6c: {  	_ =	swait.ge [sflag:s6], $0x80  }
0x6d: {  	[sflag:s6] =	ssyncset.done $0x0  }
0x6e: {  	[sflag:s6] =	ssyncadd.s32 $0xFFFFFF80  }
0x6f: {  	[spmem:s3] =	stream.indirect.scatter.add.f32 [tilespmem:s30], [sflag:$0x3], $0x80, s31, s29, $0xb8;
	[tilespmem:$0x1F220] =	vst v63  }
0x70: {  	_ = 	snop  }
0x71: {  	[spmem:s4] =	stream.indirect.scatter.add.f32 [tilespmem:s2], [sflag:$0x5], $0x10, s31, s29, $0xb8;
	[tilespmem:$0x1F220] =	vst v63  }
0x72: {  	s24 =	rddreg [dreg:$0xe]  }
0x73: {  	[tilespmem:s7], [sflag:$0xA] =	stream.linear.gather [hbm4b:s24+s5], $0x80, $0x38;
	[tilespmem:$0x1F220] =	vst v63  }
0x74: {  	s22 =	rddreg [dreg:$0xf]  }
0x75: {  	[tilespmem:s5], [sflag:$0x7] =	stream.linear.gather [hbm4b:s22+s5], $0x80, $0x38;
	[tilespmem:$0x1F220] =	vst v63  }
0x76: {  	_ =	swait.ge [sflag:s8], $0x80  }
0x77: {  	[sflag:s8] =	ssyncset.done $0x0  }
0x78: {  	[sflag:s8] =	ssyncadd.s32 $0xFFFFFF80  }
0x79: {  	[tilespmem:s10], [sflag:$0x2] =	stream.indirect.gather [hbm4b:s1+s29], $0x80, s29, s29, $0xb8;
	[tilespmem:$0x1F220] =	vst v63  }
0x7a: {  	_ =	swait.ge [sflag:s11], $0x4000  }
0x7b: {  	[sflag:s11] =	ssyncset.done $0x0  }
0x7c: {  	s23 =	rddreg [dreg:$0x10];
	[sflag:s11] =	ssyncadd.s32 $0xFFFFC000  }
0x7d: {  	[tilespmem:s29], [sflag:$0x8] =	stream.linear.gather [hbm4b:s23+s5], $0x80, $0x38;
	[tilespmem:$0x1F220] =	vst v63  }
0x7e: {  	_ =	swait.ge [sflag:s12], $0x80  }
0x7f: {  	[sflag:s12] =	ssyncset.done $0x0  }
0x80: {  	[sflag:s12] =	ssyncadd.s32 $0xFFFFFF80  }
0x81: {  	[spmem:s3] =	stream.indirect.scatter.add.f32 [tilespmem:s10], [sflag:$0x4], $0x80, s7, s29, $0xb8;
	[tilespmem:$0x1F220] =	vst v63  }
0x82: {  	_ = 	snop  }
0x83: {  	[spmem:s4] =	stream.indirect.scatter.add.f32 [tilespmem:s2], [sflag:$0x6], $0x10, s7, s29, $0xb8;
	[tilespmem:$0x1F220] =	vst v63  }
0x84: {  	_ =	swait.ge [sflag:s13], $0x4000  }
0x85: {  	[sflag:s13] =	ssyncset.done $0x0  }
0x86: {  	[sflag:s13] =	ssyncadd.s32 $0xFFFFC000  }
0x87: {  	_ =	swait.ge [sflag:s14], $0x800  }
0x88: {  	[sflag:s14] =	ssyncset.done $0x0  }
0x89: {  	s24 =	rddreg [dreg:$0x11];
	[sflag:s14] =	ssyncadd.s32 $0xFFFFF800  }
0x8a: {  	[tilespmem:s31], [sflag:$0x9] =	stream.linear.gather [hbm4b:s24+s5], $0x80, $0x38;
	[tilespmem:$0x1F220] =	vst v63  }
0x8b: {  	_ =	swait.ge [sflag:s15], $0x80  }
0x8c: {  	[sflag:s15] =	ssyncset.done $0x0  }
0x8d: {  	s23 =	simm.s32 $0x0;
	[sflag:s15] =	ssyncadd.s32 $0xFFFFFF80  }
0x8e: {  	[tilespmem:s30], [sflag:$0x1] =	stream.indirect.gather [hbm4b:s1+s29], $0x80, s5, s29, $0xb8;
	[tilespmem:$0x1F220] =	vst v63  }
.LBB2_2:
0x8f: {  	_ =	swait.ge [sflag:s0], $0x4000  }
0x90: {  	p0 =	seq.s32 s23, $0x4A0;
	[sflag:s0] =	ssyncset.done $0x0  }
0x91: {  	s24 =	sadd.s32 @!p0 s23, s19;
	s22 =	simm.s32 @!p0 $0x0;
	[sflag:s0] =	ssyncadd.s32 $0xFFFFC000  }
0x92: {  	[tilespmem:s22], [sflag:$0x7] =	stream.linear.gather @!p0 [hbm4b:s24+s22], $0x80, $0x38;
	[tilespmem:$0x1F220] =	vst v63  }
0x93: {  	_ =	swait.ge [sflag:s6], $0x80  }
0x94: {  	[sflag:s6] =	ssyncset.done $0x0  }
0x95: {  	[sflag:s6] =	ssyncadd.s32 $0xFFFFFF80  }
0x96: {  	[spmem:s3] =	stream.indirect.scatter.add.f32 [tilespmem:s30], [sflag:$0x3], $0x80, s31, s29, $0xb8;
	[tilespmem:$0x1F220] =	vst v63  }
0x97: {  	_ = 	snop  }
0x98: {  	[spmem:s4] =	stream.indirect.scatter.add.f32 [tilespmem:s2], [sflag:$0x5], $0x10, s31, s29, $0xb8;
	[tilespmem:$0x1F220] =	vst v63  }
0x99: {  	_ =	swait.ge [sflag:s16], $0x4000  }
0x9a: {  	[sflag:s16] =	ssyncset.done $0x0  }
0x9b: {  	[sflag:s16] =	ssyncadd.s32 $0xFFFFC000  }
0x9c: {  	_ =	swait.ge [sflag:s17], $0x800  }
0x9d: {  	[sflag:s17] =	ssyncset.done $0x0  }
0x9e: {  	s9 =	sadd.s32 s23, s21;
	[sflag:s17] =	ssyncadd.s32 $0xFFFFF800  }
0x9f: {  	[tilespmem:s7], [sflag:$0xA] =	stream.linear.gather [hbm4b:s9+s5], $0x80, $0x38;
	[tilespmem:$0x1F220] =	vst v63  }
0xa0: {  	_ =	swait.ge [sflag:s8], $0x80  }
0xa1: {  	[sflag:s8] =	ssyncset.done $0x0  }
0xa2: {  	[sflag:s8] =	ssyncadd.s32 $0xFFFFFF80  }
0xa3: {  	[tilespmem:s10], [sflag:$0x2] =	stream.indirect.gather [hbm4b:s1+s29], $0x80, s29, s29, $0xb8;
	[tilespmem:$0x1F220] =	vst v63  }
0xa4: {  	_ =	swait.ge [sflag:s11], $0x4000  }
0xa5: {  	[sflag:s11] =	ssyncset.done $0x0  }
0xa6: {  	s24 =	sadd.s32 @!p0 s23, s20;
	s9 =	simm.s32 @!p0 $0x80;
	[sflag:s11] =	ssyncadd.s32 $0xFFFFC000  }
0xa7: {  	[tilespmem:s9], [sflag:$0x8] =	stream.linear.gather @!p0 [hbm4b:s24+s22], $0x80, $0x38;
	[tilespmem:$0x1F220] =	vst v63  }
0xa8: {  	_ =	swait.ge [sflag:s12], $0x80  }
0xa9: {  	[sflag:s12] =	ssyncset.done $0x0  }
0xaa: {  	[sflag:s12] =	ssyncadd.s32 $0xFFFFFF80  }
0xab: {  	[spmem:s3] =	stream.indirect.scatter.add.f32 [tilespmem:s10], [sflag:$0x4], $0x80, s7, s29, $0xb8;
	[tilespmem:$0x1F220] =	vst v63  }
0xac: {  	_ = 	snop  }
0xad: {  	[spmem:s4] =	stream.indirect.scatter.add.f32 [tilespmem:s2], [sflag:$0x6], $0x10, s7, s29, $0xb8;
	[tilespmem:$0x1F220] =	vst v63  }
0xae: {  	_ =	swait.ge [sflag:s13], $0x4000  }
.Ltmp2:
0xaf: {  	[sflag:s13] =	ssyncset.done $0x0;
	(pc) =	sbr.rel @p0 .LBB2_4-.Ltmp2, $4  }
0xb0: {  	[sflag:s13] =	ssyncadd.s32 $0xFFFFC000  }
0xb1: {  	_ =	swait.ge [sflag:s14], $0x800  }
0xb2: {  	[sflag:s14] =	ssyncset.done $0x0  }
0xb3: {  	[sflag:s14] =	ssyncadd.s32 $0xFFFFF800  }
0xb4: {  	s9 =	sadd.s32 s23, s18  }
0xb5: {  	[tilespmem:s31], [sflag:$0x9] =	stream.linear.gather [hbm4b:s9+s5], $0x80, $0x38;
	[tilespmem:$0x1F220] =	vst v63  }
.Ltmp3:
0xb6: {  	_ = 	snop;
	(pc) =	sbr.rel .LBB2_2-.Ltmp3, $4  }
0xb7: {  	_ =	swait.ge [sflag:s15], $0x80  }
0xb8: {  	[sflag:s15] =	ssyncset.done $0x0  }
0xb9: {  	s23 =	sadd.s32 $0x20, s23;
	[sflag:s15] =	ssyncadd.s32 $0xFFFFFF80  }
0xba: {  	[tilespmem:s30], [sflag:$0x1] =	stream.indirect.gather [hbm4b:s1+s29], $0x80, s5, s29, $0xb8;
	[tilespmem:$0x1F220] =	vst v63  }
.LBB2_5:
0xbb: {  	_ =	sfence.sel $0x180000  }
0xbc: {  	[bflag:$0x0] =	sbarrier.arrive $0xFFFF  }
0xbd: {  	_ =	strace $0x90000047  }
0xbe: {  	s0 =	stileid.u32;
	[bflag:$0x2] =	sbarrier.arrive $0xFFFF  }
0xbf: {  	p0 =	sne.s32 s0, $0x0;
	s0 =	rddreg [dreg:$0x5]  }
0xc0: {  	s0 =	sadd.s32 @!p0 $0x100000, s0  }
0xc1: {  	[sflag:s0] =	ssyncadd.tile.s32 @!p0 $0x1;
	_ =	shalt  }
.Lfunc_end2:
_tile_overlayer_lowered:
.L_overlay_start_2:
0xc2: {  	(tag) =	ssettag $0x2  }
0xc3: {  	s0 =	rddreg [dreg:$0x0];
	s2 =	stileid.u32  }
0xc4: {  	s1 =	rddreg [dreg:$0x1];
	p0 =	sne.s32 s2, $0x0  }
0xc5: {  	s3 =	rddreg [dreg:$0x2];
	[bflag:$0x3] =	sbarrier.arrive $0xFFFF;
	s2 =	simm.s32 @!p0 $0x1C0B  }
0xc6: {  	[timem:s3], [sflag:s2] =	dma.local @!p0 [hbm:s0], s1  }
0xc7: {  	s0 =	simm.s32 @!p0 $0xB  }
0xc8: {  	_ =	swait.ge @!p0 [sflag:s0], s1  }
0xc9: {  	s1 =	ssub.s32 @!p0 $0x0, s1;
	[sflag:s0] =	ssyncset.done @!p0 $0x0  }
0xca: {  	[sflag:s0] =	ssyncadd.s32 @!p0 s1  }
0xcb: {  	[bflag:$0x3] =	sbarrier.arrive $0xFFFF  }
0xcc: {  	_ =	shalt  }

</sc_bundles>
